<compile_context>
chip_gen: v7x
topology: tpu7x:2x2x1
jax: 0.10.2.dev20260603
libtpu: 0.0.44.dev20260713+nightly
codegen_flags: <defaults>
</compile_context>

<pallas_src>
import functools

import jax
import jax.numpy as jnp
from jax import lax
from jax.experimental import pallas as pl
from jax.experimental.pallas import tpu as pltpu
from jax.experimental.pallas import tpu_sc as plsc

N = 10000
E = 8192
D = 128
ED = 16
G = 64

NC = 2
NS = 16
NW = NC * NS
EPS = E // NS
EPW = E // NW
NPAD = 10240

IC = 128
HCH = EPS // IC
GCH = EPW // IC

EB = 2048
NSTEPS = E // EB
KC = 16


def _sc_call(x, src, dst, batch, ones_c, zeros_n):
    mesh = plsc.VectorSubcoreMesh(core_axis_name="c", subcore_axis_name="s")

    @functools.partial(
        pl.kernel,
        out_type=(
            jax.ShapeDtypeStruct((E, D), jnp.float32),
            jax.ShapeDtypeStruct((E,), jnp.float32),
            jax.ShapeDtypeStruct((E,), jnp.int32),
        ),
        mesh=mesh,
        scratch_types=[
            pltpu.VMEM_SHARED((NPAD,), jnp.float32),
            pltpu.VMEM((HCH, IC), jnp.int32),
            pltpu.VMEM((IC,), jnp.float32),
            pltpu.VMEM((GCH, IC), jnp.int32),
            pltpu.VMEM((GCH, IC), jnp.int32),
            pltpu.VMEM((GCH, IC), jnp.float32),
            pltpu.VMEM((GCH, IC), jnp.float32),
            pltpu.VMEM((GCH, IC), jnp.int32),
            pltpu.VMEM((IC, D), jnp.float32),
            pltpu.VMEM((IC, D), jnp.float32),
            pltpu.SemaphoreType.DMA,
            pltpu.SemaphoreType.DMA,
        ],
    )
    def k(x_hbm, src_hbm, dst_hbm, batch_hbm, ones_hbm, zeros_hbm,
          xg_hbm, scale_hbm, ge_hbm,
          cnt_sp, dsth_v, ones_v, idxd_v, idxs_v, cnt_v, scale_v, ge_v,
          rows_v0, rows_v1, sem, xsem):
        rows = [rows_v0, rows_v1]
        c = lax.axis_index("c")
        s = lax.axis_index("s")
        wid = c * NS + s

        nsl = NPAD // NS
        pltpu.sync_copy(zeros_hbm.at[pl.ds(s * nsl, nsl)],
                        cnt_sp.at[pl.ds(s * nsl, nsl)])
        pltpu.sync_copy(ones_hbm, ones_v)
        plsc.subcore_barrier()

        for j in range(HCH):
            pltpu.sync_copy(dst_hbm.at[pl.ds(s * EPS + j * IC, IC)],
                            dsth_v.at[j])
        for j in range(HCH):
            pltpu.sync_copy(ones_v, cnt_sp.at[dsth_v.at[j]], add=True)
        plsc.subcore_barrier()

        base = wid * EPW
        for j in range(GCH):
            pltpu.sync_copy(dst_hbm.at[pl.ds(base + j * IC, IC)], idxd_v.at[j])
            pltpu.sync_copy(src_hbm.at[pl.ds(base + j * IC, IC)], idxs_v.at[j])
        xcps = [pltpu.async_copy(x_hbm.at[idxs_v.at[j]], rows[j], xsem)
                for j in range(GCH)]
        for j in range(GCH):
            pltpu.async_copy(cnt_sp.at[idxd_v.at[j]], cnt_v.at[j], sem).wait()
            pltpu.async_copy(batch_hbm.at[idxd_v.at[j]], ge_v.at[j], sem).wait()
        for j in range(GCH):
            for i in range(IC // 16):
                cv = cnt_v[j, pl.ds(i * 16, 16)]
                scale_v[j, pl.ds(i * 16, 16)] = 1.0 / jnp.maximum(cv, 1.0)
        for j in range(GCH):
            pltpu.sync_copy(scale_v.at[j], scale_hbm.at[pl.ds(base + j * IC, IC)])
            pltpu.sync_copy(ge_v.at[j], ge_hbm.at[pl.ds(base + j * IC, IC)])
        for cp in xcps:
            cp.wait()
        for j in range(GCH):
            pltpu.sync_copy(rows[j], xg_hbm.at[pl.ds(base + j * IC, IC)])

    return k(x, src, dst, batch, ones_c, zeros_n)


def _main_body(ea_ref, w1_ref, b1_ref, w2_ref, b2_ref, w3_ref, b3_ref,
               xg_ref, scale_ref, ge_ref, w4t_ref, b4t_ref, out_ref,
               acc_ref):
    step = pl.program_id(0)
    a = jnp.dot(ea_ref[...], w1_ref[...], preferred_element_type=jnp.float32)
    a = jnp.maximum(a + b1_ref[...], 0.0)
    a = jnp.dot(a, w2_ref[...], preferred_element_type=jnp.float32)
    a = jnp.maximum(a + b2_ref[...], 0.0)
    a = jnp.dot(a, w3_ref[...], preferred_element_type=jnp.float32)
    h = jnp.maximum(a + b3_ref[...], 0.0)
    scale_row = scale_ref[...]
    xsT = (xg_ref[...].T * scale_row).astype(jnp.bfloat16)
    hT = h.T.astype(jnp.bfloat16)
    msgT = lax.dot_general(b4t_ref[...], xsT, (((1,), (0,)), ((), ())),
                           preferred_element_type=jnp.float32)
    for kc in range(D // KC):
        pieces = [hT[kc * KC + kk:kc * KC + kk + 1, :] * xsT
                  for kk in range(KC)]
        zT = jnp.concatenate(pieces, axis=0)
        msgT += lax.dot_general(w4t_ref[:, pl.ds(kc * KC * D, KC * D)], zT,
                                (((1,), (0,)), ((), ())),
                                preferred_element_type=jnp.float32)
    onehot = (ge_ref[...] == lax.broadcasted_iota(jnp.int32, (EB, G), 1))
    onehot = onehot.astype(jnp.float32)
    accT = lax.dot_general(msgT, onehot, (((1,), (0,)), ((), ())),
                           preferred_element_type=jnp.float32)

    @pl.when(step == 0)
    def _():
        acc_ref[...] = accT

    @pl.when(step != 0)
    def _():
        acc_ref[...] += accT

    @pl.when(step == NSTEPS - 1)
    def _():
        out_ref[...] = acc_ref[...].T


def _main_call(edge_attr, W1, b1, W2, b2, W3, b3, xg, scale, ge, W4t, B4t):
    return pl.pallas_call(
        _main_body,
        grid=(NSTEPS,),
        in_specs=[
            pl.BlockSpec((EB, ED), lambda i: (i, 0)),
            pl.BlockSpec((ED, 128), lambda i: (0, 0)),
            pl.BlockSpec((1, 128), lambda i: (0, 0)),
            pl.BlockSpec((128, 256), lambda i: (0, 0)),
            pl.BlockSpec((1, 256), lambda i: (0, 0)),
            pl.BlockSpec((256, 128), lambda i: (0, 0)),
            pl.BlockSpec((1, 128), lambda i: (0, 0)),
            pl.BlockSpec((EB, D), lambda i: (i, 0)),
            pl.BlockSpec((1, EB), lambda i: (0, i)),
            pl.BlockSpec((EB, 1), lambda i: (i, 0)),
            pl.BlockSpec((D, D * D), lambda i: (0, 0)),
            pl.BlockSpec((D, D), lambda i: (0, 0)),
        ],
        out_specs=pl.BlockSpec((G, D), lambda i: (0, 0)),
        out_shape=jax.ShapeDtypeStruct((G, D), jnp.float32),
        scratch_shapes=[pltpu.VMEM((D, G), jnp.float32)],
    )(edge_attr, W1, b1.reshape(1, 128), W2, b2.reshape(1, 256),
      W3, b3.reshape(1, 128), xg, scale, ge, W4t, B4t)


def kernel(x, edge_index, edge_attr, batch, W1, b1, W2, b2, W3, b3, W4, b4):
    src = edge_index[0]
    dst = edge_index[1]
    ones_c = jnp.ones((IC,), jnp.float32)
    zeros_n = jnp.zeros((NPAD,), jnp.float32)

    xg, scale, ge = _sc_call(x, src, dst, batch, ones_c, zeros_n)

    W4t = W4.reshape(D * D, D).T.astype(jnp.bfloat16)
    B4t = b4.reshape(D, D).T.astype(jnp.bfloat16)
    out = _main_call(edge_attr, W1, b1, W2, b2, W3, b3,
                     xg, scale.reshape(1, E), ge.reshape(E, 1), W4t, B4t)
    return out

# --- scband reference (transcript-rebuilt; emitter-appended) ---
"""Pipeline reference for scband-net-16174846837292 (READ-ONLY COPY).

The authoritative reference and input builder live on the scoring server;
editing this copy changes nothing except your own understanding.
"""

import jax, jax.numpy as jnp
import numpy as np

N = 10000
E = 8192
D = 128
ED = 16
G = 64


def setup_inputs(seed: int = 0) -> dict:
    key = jax.random.key(seed)
    ks = jax.random.split(key, 12)
    x = jax.random.normal(ks[0], (N, D), dtype=jnp.float32)
    edge_index = jax.random.randint(ks[1], (2, E), 0, N, dtype=jnp.int32)
    edge_attr = jax.random.normal(ks[2], (E, ED), dtype=jnp.float32)
    batch = jnp.sort(jax.random.randint(ks[3], (N,), 0, G, dtype=jnp.int32))
    # edge_net MLP params (Linear->ReLU->Linear->ReLU->Linear->ReLU->Linear),
    # dims made consistent: ED->128->256->128->(D*D)
    W1 = jax.random.normal(ks[4], (ED, 128), dtype=jnp.float32) * 0.1
    b1 = jnp.zeros((128,), dtype=jnp.float32)
    W2 = jax.random.normal(ks[5], (128, 256), dtype=jnp.float32) * 0.1
    b2 = jnp.zeros((256,), dtype=jnp.float32)
    W3 = jax.random.normal(ks[6], (256, 128), dtype=jnp.float32) * 0.1
    b3 = jnp.zeros((128,), dtype=jnp.float32)
    W4 = jax.random.normal(ks[7], (128, D * D), dtype=jnp.float32) * 0.01
    b4 = jnp.zeros((D * D,), dtype=jnp.float32)
    return {"x": x, "edge_index": edge_index, "edge_attr": edge_attr, "batch": batch,
            "W1": W1, "b1": b1, "W2": W2, "b2": b2, "W3": W3, "b3": b3, "W4": W4, "b4": b4}


def reference(x, edge_index, edge_attr, batch, W1, b1, W2, b2, W3, b3, W4, b4):
    # x = x.view(x.size(0), -1) is identity for [N, D]
    src = edge_index[0]
    dst = edge_index[1]
    # edge_net: per-edge dynamic weight matrix [E, D, D]
    h = jax.nn.relu(edge_attr @ W1 + b1)
    h = jax.nn.relu(h @ W2 + b2)
    h = jax.nn.relu(h @ W3 + b3)
    w = (h @ W4 + b4).reshape(-1, D, D)
    # NNConv message: x_j @ W_e, aggr='mean' at dst, root_weight=False, bias=False
    msg = jnp.einsum('ei,eio->eo', x[src], w)
    summed = jax.ops.segment_sum(msg, dst, num_segments=N)
    cnt = jax.ops.segment_sum(jnp.ones((E,), dtype=jnp.float32), dst, num_segments=N)
    node_out = summed / jnp.maximum(cnt, 1.0)[:, None]
    # global_add_pool over batch assignment
    out = jax.ops.segment_sum(node_out, batch, num_segments=G)
    return out

if __name__ == "__main__":
    import jax
    _d = setup_inputs()
    print(jax.jit(kernel)(*tuple(_d.values())))

</pallas_src>

<mosaic_0001>
#map = affine_map<(d0, d1) -> (0, 0)>
#map1 = affine_map<(d0, d1) -> (0)>
module attributes {stable_mosaic.version = 14 : i64} {
  func.func @k(%arg0: i32, %arg1: i32, %arg2: memref<10000x128xf32, #tpu.memory_space<hbm>>, %arg3: memref<8192xi32, #tpu.memory_space<hbm>>, %arg4: memref<8192xi32, #tpu.memory_space<hbm>>, %arg5: memref<10000xi32, #tpu.memory_space<hbm>>, %arg6: memref<128xf32, #tpu.memory_space<hbm>>, %arg7: memref<10240xf32, #tpu.memory_space<hbm>>, %arg8: memref<8192x128xf32, #tpu.memory_space<hbm>>, %arg9: memref<8192xf32, #tpu.memory_space<hbm>>, %arg10: memref<8192xi32, #tpu.memory_space<hbm>>, %arg11: memref<10240xf32, #tpu.memory_space<vmem_shared>>, %arg12: memref<4x128xi32, #tpu.memory_space<vmem>>, %arg13: memref<128xf32, #tpu.memory_space<vmem>>, %arg14: memref<2x128xi32, #tpu.memory_space<vmem>>, %arg15: memref<2x128xi32, #tpu.memory_space<vmem>>, %arg16: memref<2x128xf32, #tpu.memory_space<vmem>>, %arg17: memref<2x128xf32, #tpu.memory_space<vmem>>, %arg18: memref<2x128xi32, #tpu.memory_space<vmem>>, %arg19: memref<128x128xf32, #tpu.memory_space<vmem>>, %arg20: memref<128x128xf32, #tpu.memory_space<vmem>>, %arg21: memref<!tpu.dma_semaphore, #tpu.memory_space<semaphore_mem>>, %arg22: memref<!tpu.dma_semaphore, #tpu.memory_space<semaphore_mem>>) attributes {dimension_semantics = [#tpu.dimension_semantics<core_parallel>, #tpu.dimension_semantics<subcore_parallel>], iteration_bounds = array<i64: 2, 16>, scalar_prefetch = 0 : i64, scratch_operands = 12 : i64, tpu.core_type = #tpu.core_type<sc_vector_subcore>, window_params = [{transform_indices = #map}, {transform_indices = #map1}, {transform_indices = #map1}, {transform_indices = #map1}, {transform_indices = #map1}, {transform_indices = #map1}, {transform_indices = #map}, {transform_indices = #map1}, {transform_indices = #map1}]} {
    %mul3A = arith.constant 16 : i32
    %mul3A_0 = arith.muli %arg0, %mul3A : i32
    %add3A = arith.addi %mul3A_0, %arg1 : i32
    %mul3A_1 = arith.constant 640 : i32
    %mul3A_2 = arith.muli %arg1, %mul3A_1 : i32
    %mul3A_3 = arith.constant 640 : i32
    %mul3A_4 = arith.muli %arg1, %mul3A_3 : i32
    "tpu.region"() ({
      %run_scoped3A_433 = tpu.sem_alloc : memref<!tpu.dma_semaphore, #tpu.memory_space<semaphore_mem>>
      %dma_start3A_434 = tpu.memref_slice %arg11[%mul3A_4] : memref<10240xf32, #tpu.memory_space<vmem_shared>> -> memref<640xf32, #tpu.memory_space<vmem_shared>>
      %dma_start3A_435 = tpu.memref_slice %arg7[%mul3A_2] : memref<10240xf32, #tpu.memory_space<hbm>> -> memref<640xf32, #tpu.memory_space<hbm>>
      tpu.enqueue_dma source(%dma_start3A_435 : memref<640xf32, #tpu.memory_space<hbm>>) target(%dma_start3A_434 : memref<640xf32, #tpu.memory_space<vmem_shared>>) target_semaphore(%run_scoped3A_433 : memref<!tpu.dma_semaphore, #tpu.memory_space<semaphore_mem>>)
      %dma_wait3A_436 = tpu.memref_slice %arg11[%mul3A_4] : memref<10240xf32, #tpu.memory_space<vmem_shared>> -> memref<640xf32, #tpu.memory_space<vmem_shared>>
      %dma_wait3A_437 = tpu.memref_slice %arg7[%mul3A_2] : memref<10240xf32, #tpu.memory_space<hbm>> -> memref<640xf32, #tpu.memory_space<hbm>>
      tpu.wait_dma2 semaphore(%run_scoped3A_433 : memref<!tpu.dma_semaphore, #tpu.memory_space<semaphore_mem>>) src(%dma_wait3A_437 : memref<640xf32, #tpu.memory_space<hbm>>) dst(%dma_wait3A_436 : memref<640xf32, #tpu.memory_space<vmem_shared>>)
      tpu.yield
    }) : () -> ()
    "tpu.region"() ({
      %run_scoped3A_433 = tpu.sem_alloc : memref<!tpu.dma_semaphore, #tpu.memory_space<semaphore_mem>>
      tpu.enqueue_dma source(%arg6 : memref<128xf32, #tpu.memory_space<hbm>>) target(%arg13 : memref<128xf32, #tpu.memory_space<vmem>>) target_semaphore(%run_scoped3A_433 : memref<!tpu.dma_semaphore, #tpu.memory_space<semaphore_mem>>)
      tpu.wait_dma2 semaphore(%run_scoped3A_433 : memref<!tpu.dma_semaphore, #tpu.memory_space<semaphore_mem>>) src(%arg6 : memref<128xf32, #tpu.memory_space<hbm>>) dst(%arg13 : memref<128xf32, #tpu.memory_space<vmem>>)
      tpu.yield
    }) : () -> ()
    %barrier3A = arith.constant 0 : index
    tpu.barrier barrier_id(%barrier3A)
    %mul3A_5 = arith.constant 512 : i32
    %mul3A_6 = arith.muli %arg1, %mul3A_5 : i32
    %add3A_7 = arith.constant 0 : i32
    %add3A_8 = arith.addi %mul3A_6, %add3A_7 : i32
    %run_scoped3A = arith.constant 0 : i32
    "tpu.region"() ({
      %run_scoped3A_433 = tpu.sem_alloc : memref<!tpu.dma_semaphore, #tpu.memory_space<semaphore_mem>>
      %dma_start3A_434 = arith.constant 0 : i32
      %dma_start3A_435 = tpu.memref_slice %arg12[%run_scoped3A, %dma_start3A_434] : memref<4x128xi32, #tpu.memory_space<vmem>> -> memref<1x128xi32, #tpu.memory_space<vmem>>
      %dma_start3A_436 = tpu.memref_squeeze %dma_start3A_435 : memref<1x128xi32, #tpu.memory_space<vmem>> -> memref<128xi32, #tpu.memory_space<vmem>>
      %dma_start3A_437 = tpu.memref_slice %arg4[%add3A_8] : memref<8192xi32, #tpu.memory_space<hbm>> -> memref<128xi32, #tpu.memory_space<hbm>>
      %dma_start3A_438 = arith.constant 0 : i32
      %dma_start3A_439 = tpu.memref_slice %arg12[%run_scoped3A, %dma_start3A_438] : memref<4x128xi32, #tpu.memory_space<vmem>> -> memref<1x128xi32, #tpu.memory_space<vmem>>
      %dma_start3A_440 = tpu.memref_squeeze %dma_start3A_439 : memref<1x128xi32, #tpu.memory_space<vmem>> -> memref<128xi32, #tpu.memory_space<vmem>>
      %dma_start3A_441 = tpu.memref_slice %arg4[%add3A_8] : memref<8192xi32, #tpu.memory_space<hbm>> -> memref<128xi32, #tpu.memory_space<hbm>>
      tpu.enqueue_dma source(%dma_start3A_441 : memref<128xi32, #tpu.memory_space<hbm>>) target(%dma_start3A_440 : memref<128xi32, #tpu.memory_space<vmem>>) target_semaphore(%run_scoped3A_433 : memref<!tpu.dma_semaphore, #tpu.memory_space<semaphore_mem>>)
      %dma_wait3A_442 = arith.constant 0 : i32
      %dma_wait3A_443 = tpu.memref_slice %arg12[%run_scoped3A, %dma_wait3A_442] : memref<4x128xi32, #tpu.memory_space<vmem>> -> memref<1x128xi32, #tpu.memory_space<vmem>>
      %dma_wait3A_444 = tpu.memref_squeeze %dma_wait3A_443 : memref<1x128xi32, #tpu.memory_space<vmem>> -> memref<128xi32, #tpu.memory_space<vmem>>
      %dma_wait3A_445 = tpu.memref_slice %arg4[%add3A_8] : memref<8192xi32, #tpu.memory_space<hbm>> -> memref<128xi32, #tpu.memory_space<hbm>>
      %dma_wait3A_446 = arith.constant 0 : i32
      %dma_wait3A_447 = tpu.memref_slice %arg12[%run_scoped3A, %dma_wait3A_446] : memref<4x128xi32, #tpu.memory_space<vmem>> -> memref<1x128xi32, #tpu.memory_space<vmem>>
      %dma_wait3A_448 = tpu.memref_squeeze %dma_wait3A_447 : memref<1x128xi32, #tpu.memory_space<vmem>> -> memref<128xi32, #tpu.memory_space<vmem>>
      %dma_wait3A_449 = tpu.memref_slice %arg4[%add3A_8] : memref<8192xi32, #tpu.memory_space<hbm>> -> memref<128xi32, #tpu.memory_space<hbm>>
      tpu.wait_dma2 semaphore(%run_scoped3A_433 : memref<!tpu.dma_semaphore, #tpu.memory_space<semaphore_mem>>) src(%dma_wait3A_449 : memref<128xi32, #tpu.memory_space<hbm>>) dst(%dma_wait3A_448 : memref<128xi32, #tpu.memory_space<vmem>>)
      tpu.yield
    }) : () -> ()
    %mul3A_9 = arith.constant 512 : i32
    %mul3A_10 = arith.muli %arg1, %mul3A_9 : i32
    %add3A_11 = arith.constant 128 : i32
    %add3A_12 = arith.addi %mul3A_10, %add3A_11 : i32
    %run_scoped3A_13 = arith.constant 1 : i32
    "tpu.region"() ({
      %run_scoped3A_433 = tpu.sem_alloc : memref<!tpu.dma_semaphore, #tpu.memory_space<semaphore_mem>>
      %dma_start3A_434 = arith.constant 0 : i32
      %dma_start3A_435 = tpu.memref_slice %arg12[%run_scoped3A_13, %dma_start3A_434] : memref<4x128xi32, #tpu.memory_space<vmem>> -> memref<1x128xi32, #tpu.memory_space<vmem>>
      %dma_start3A_436 = tpu.memref_squeeze %dma_start3A_435 : memref<1x128xi32, #tpu.memory_space<vmem>> -> memref<128xi32, #tpu.memory_space<vmem>>
      %dma_start3A_437 = tpu.memref_slice %arg4[%add3A_12] : memref<8192xi32, #tpu.memory_space<hbm>> -> memref<128xi32, #tpu.memory_space<hbm>>
      %dma_start3A_438 = arith.constant 0 : i32
      %dma_start3A_439 = tpu.memref_slice %arg12[%run_scoped3A_13, %dma_start3A_438] : memref<4x128xi32, #tpu.memory_space<vmem>> -> memref<1x128xi32, #tpu.memory_space<vmem>>
      %dma_start3A_440 = tpu.memref_squeeze %dma_start3A_439 : memref<1x128xi32, #tpu.memory_space<vmem>> -> memref<128xi32, #tpu.memory_space<vmem>>
      %dma_start3A_441 = tpu.memref_slice %arg4[%add3A_12] : memref<8192xi32, #tpu.memory_space<hbm>> -> memref<128xi32, #tpu.memory_space<hbm>>
      tpu.enqueue_dma source(%dma_start3A_441 : memref<128xi32, #tpu.memory_space<hbm>>) target(%dma_start3A_440 : memref<128xi32, #tpu.memory_space<vmem>>) target_semaphore(%run_scoped3A_433 : memref<!tpu.dma_semaphore, #tpu.memory_space<semaphore_mem>>)
      %dma_wait3A_442 = arith.constant 0 : i32
      %dma_wait3A_443 = tpu.memref_slice %arg12[%run_scoped3A_13, %dma_wait3A_442] : memref<4x128xi32, #tpu.memory_space<vmem>> -> memref<1x128xi32, #tpu.memory_space<vmem>>
      %dma_wait3A_444 = tpu.memref_squeeze %dma_wait3A_443 : memref<1x128xi32, #tpu.memory_space<vmem>> -> memref<128xi32, #tpu.memory_space<vmem>>
      %dma_wait3A_445 = tpu.memref_slice %arg4[%add3A_12] : memref<8192xi32, #tpu.memory_space<hbm>> -> memref<128xi32, #tpu.memory_space<hbm>>
      %dma_wait3A_446 = arith.constant 0 : i32
      %dma_wait3A_447 = tpu.memref_slice %arg12[%run_scoped3A_13, %dma_wait3A_446] : memref<4x128xi32, #tpu.memory_space<vmem>> -> memref<1x128xi32, #tpu.memory_space<vmem>>
      %dma_wait3A_448 = tpu.memref_squeeze %dma_wait3A_447 : memref<1x128xi32, #tpu.memory_space<vmem>> -> memref<128xi32, #tpu.memory_space<vmem>>
      %dma_wait3A_449 = tpu.memref_slice %arg4[%add3A_12] : memref<8192xi32, #tpu.memory_space<hbm>> -> memref<128xi32, #tpu.memory_space<hbm>>
      tpu.wait_dma2 semaphore(%run_scoped3A_433 : memref<!tpu.dma_semaphore, #tpu.memory_space<semaphore_mem>>) src(%dma_wait3A_449 : memref<128xi32, #tpu.memory_space<hbm>>) dst(%dma_wait3A_448 : memref<128xi32, #tpu.memory_space<vmem>>)
      tpu.yield
    }) : () -> ()
    %mul3A_14 = arith.constant 512 : i32
    %mul3A_15 = arith.muli %arg1, %mul3A_14 : i32
    %add3A_16 = arith.constant 256 : i32
    %add3A_17 = arith.addi %mul3A_15, %add3A_16 : i32
    %run_scoped3A_18 = arith.constant 2 : i32
    "tpu.region"() ({
      %run_scoped3A_433 = tpu.sem_alloc : memref<!tpu.dma_semaphore, #tpu.memory_space<semaphore_mem>>
      %dma_start3A_434 = arith.constant 0 : i32
      %dma_start3A_435 = tpu.memref_slice %arg12[%run_scoped3A_18, %dma_start3A_434] : memref<4x128xi32, #tpu.memory_space<vmem>> -> memref<1x128xi32, #tpu.memory_space<vmem>>
      %dma_start3A_436 = tpu.memref_squeeze %dma_start3A_435 : memref<1x128xi32, #tpu.memory_space<vmem>> -> memref<128xi32, #tpu.memory_space<vmem>>
      %dma_start3A_437 = tpu.memref_slice %arg4[%add3A_17] : memref<8192xi32, #tpu.memory_space<hbm>> -> memref<128xi32, #tpu.memory_space<hbm>>
      %dma_start3A_438 = arith.constant 0 : i32
      %dma_start3A_439 = tpu.memref_slice %arg12[%run_scoped3A_18, %dma_start3A_438] : memref<4x128xi32, #tpu.memory_space<vmem>> -> memref<1x128xi32, #tpu.memory_space<vmem>>
      %dma_start3A_440 = tpu.memref_squeeze %dma_start3A_439 : memref<1x128xi32, #tpu.memory_space<vmem>> -> memref<128xi32, #tpu.memory_space<vmem>>
      %dma_start3A_441 = tpu.memref_slice %arg4[%add3A_17] : memref<8192xi32, #tpu.memory_space<hbm>> -> memref<128xi32, #tpu.memory_space<hbm>>
      tpu.enqueue_dma source(%dma_start3A_441 : memref<128xi32, #tpu.memory_space<hbm>>) target(%dma_start3A_440 : memref<128xi32, #tpu.memory_space<vmem>>) target_semaphore(%run_scoped3A_433 : memref<!tpu.dma_semaphore, #tpu.memory_space<semaphore_mem>>)
      %dma_wait3A_442 = arith.constant 0 : i32
      %dma_wait3A_443 = tpu.memref_slice %arg12[%run_scoped3A_18, %dma_wait3A_442] : memref<4x128xi32, #tpu.memory_space<vmem>> -> memref<1x128xi32, #tpu.memory_space<vmem>>
      %dma_wait3A_444 = tpu.memref_squeeze %dma_wait3A_443 : memref<1x128xi32, #tpu.memory_space<vmem>> -> memref<128xi32, #tpu.memory_space<vmem>>
      %dma_wait3A_445 = tpu.memref_slice %arg4[%add3A_17] : memref<8192xi32, #tpu.memory_space<hbm>> -> memref<128xi32, #tpu.memory_space<hbm>>
      %dma_wait3A_446 = arith.constant 0 : i32
      %dma_wait3A_447 = tpu.memref_slice %arg12[%run_scoped3A_18, %dma_wait3A_446] : memref<4x128xi32, #tpu.memory_space<vmem>> -> memref<1x128xi32, #tpu.memory_space<vmem>>
      %dma_wait3A_448 = tpu.memref_squeeze %dma_wait3A_447 : memref<1x128xi32, #tpu.memory_space<vmem>> -> memref<128xi32, #tpu.memory_space<vmem>>
      %dma_wait3A_449 = tpu.memref_slice %arg4[%add3A_17] : memref<8192xi32, #tpu.memory_space<hbm>> -> memref<128xi32, #tpu.memory_space<hbm>>
      tpu.wait_dma2 semaphore(%run_scoped3A_433 : memref<!tpu.dma_semaphore, #tpu.memory_space<semaphore_mem>>) src(%dma_wait3A_449 : memref<128xi32, #tpu.memory_space<hbm>>) dst(%dma_wait3A_448 : memref<128xi32, #tpu.memory_space<vmem>>)
      tpu.yield
    }) : () -> ()
    %mul3A_19 = arith.constant 512 : i32
    %mul3A_20 = arith.muli %arg1, %mul3A_19 : i32
    %add3A_21 = arith.constant 384 : i32
    %add3A_22 = arith.addi %mul3A_20, %add3A_21 : i32
    %run_scoped3A_23 = arith.constant 3 : i32
    "tpu.region"() ({
      %run_scoped3A_433 = tpu.sem_alloc : memref<!tpu.dma_semaphore, #tpu.memory_space<semaphore_mem>>
      %dma_start3A_434 = arith.constant 0 : i32
      %dma_start3A_435 = tpu.memref_slice %arg12[%run_scoped3A_23, %dma_start3A_434] : memref<4x128xi32, #tpu.memory_space<vmem>> -> memref<1x128xi32, #tpu.memory_space<vmem>>
      %dma_start3A_436 = tpu.memref_squeeze %dma_start3A_435 : memref<1x128xi32, #tpu.memory_space<vmem>> -> memref<128xi32, #tpu.memory_space<vmem>>
      %dma_start3A_437 = tpu.memref_slice %arg4[%add3A_22] : memref<8192xi32, #tpu.memory_space<hbm>> -> memref<128xi32, #tpu.memory_space<hbm>>
      %dma_start3A_438 = arith.constant 0 : i32
      %dma_start3A_439 = tpu.memref_slice %arg12[%run_scoped3A_23, %dma_start3A_438] : memref<4x128xi32, #tpu.memory_space<vmem>> -> memref<1x128xi32, #tpu.memory_space<vmem>>
      %dma_start3A_440 = tpu.memref_squeeze %dma_start3A_439 : memref<1x128xi32, #tpu.memory_space<vmem>> -> memref<128xi32, #tpu.memory_space<vmem>>
      %dma_start3A_441 = tpu.memref_slice %arg4[%add3A_22] : memref<8192xi32, #tpu.memory_space<hbm>> -> memref<128xi32, #tpu.memory_space<hbm>>
      tpu.enqueue_dma source(%dma_start3A_441 : memref<128xi32, #tpu.memory_space<hbm>>) target(%dma_start3A_440 : memref<128xi32, #tpu.memory_space<vmem>>) target_semaphore(%run_scoped3A_433 : memref<!tpu.dma_semaphore, #tpu.memory_space<semaphore_mem>>)
      %dma_wait3A_442 = arith.constant 0 : i32
      %dma_wait3A_443 = tpu.memref_slice %arg12[%run_scoped3A_23, %dma_wait3A_442] : memref<4x128xi32, #tpu.memory_space<vmem>> -> memref<1x128xi32, #tpu.memory_space<vmem>>
      %dma_wait3A_444 = tpu.memref_squeeze %dma_wait3A_443 : memref<1x128xi32, #tpu.memory_space<vmem>> -> memref<128xi32, #tpu.memory_space<vmem>>
      %dma_wait3A_445 = tpu.memref_slice %arg4[%add3A_22] : memref<8192xi32, #tpu.memory_space<hbm>> -> memref<128xi32, #tpu.memory_space<hbm>>
      %dma_wait3A_446 = arith.constant 0 : i32
      %dma_wait3A_447 = tpu.memref_slice %arg12[%run_scoped3A_23, %dma_wait3A_446] : memref<4x128xi32, #tpu.memory_space<vmem>> -> memref<1x128xi32, #tpu.memory_space<vmem>>
      %dma_wait3A_448 = tpu.memref_squeeze %dma_wait3A_447 : memref<1x128xi32, #tpu.memory_space<vmem>> -> memref<128xi32, #tpu.memory_space<vmem>>
      %dma_wait3A_449 = tpu.memref_slice %arg4[%add3A_22] : memref<8192xi32, #tpu.memory_space<hbm>> -> memref<128xi32, #tpu.memory_space<hbm>>
      tpu.wait_dma2 semaphore(%run_scoped3A_433 : memref<!tpu.dma_semaphore, #tpu.memory_space<semaphore_mem>>) src(%dma_wait3A_449 : memref<128xi32, #tpu.memory_space<hbm>>) dst(%dma_wait3A_448 : memref<128xi32, #tpu.memory_space<vmem>>)
      tpu.yield
    }) : () -> ()
    %run_scoped3A_24 = arith.constant 0 : i32
    "tpu.region"() ({
      %run_scoped3A_433 = tpu.sem_alloc : memref<!tpu.dma_semaphore, #tpu.memory_space<semaphore_mem>>
      %dma_start3A_434 = arith.constant 0 : i32
      %dma_start3A_435 = tpu.memref_slice %arg12[%run_scoped3A_24, %dma_start3A_434] : memref<4x128xi32, #tpu.memory_space<vmem>> -> memref<1x128xi32, #tpu.memory_space<vmem>>
      %dma_start3A_436 = tpu.memref_squeeze %dma_start3A_435 : memref<1x128xi32, #tpu.memory_space<vmem>> -> memref<128xi32, #tpu.memory_space<vmem>>
      %dma_start3A_437 = arith.constant 0 : i32
      %dma_start3A_438 = tpu.memref_slice %arg11[%dma_start3A_437] : memref<10240xf32, #tpu.memory_space<vmem_shared>> -> memref<10240xf32, #tpu.memory_space<vmem_shared>>
      tpu.enqueue_indirect_dma source(%arg13 : memref<128xf32, #tpu.memory_space<vmem>>) target(%dma_start3A_438 : memref<10240xf32, #tpu.memory_space<vmem_shared>>) offsets(%dma_start3A_436 : memref<128xi32, #tpu.memory_space<vmem>>) semaphore(%run_scoped3A_433 : memref<!tpu.dma_semaphore, #tpu.memory_space<semaphore_mem>>) {add = true}
      %dma_wait3A_439 = arith.constant 0 : i32
      %dma_wait3A_440 = tpu.memref_slice %arg12[%run_scoped3A_24, %dma_wait3A_439] : memref<4x128xi32, #tpu.memory_space<vmem>> -> memref<1x128xi32, #tpu.memory_space<vmem>>
      %dma_wait3A_441 = tpu.memref_squeeze %dma_wait3A_440 : memref<1x128xi32, #tpu.memory_space<vmem>> -> memref<128xi32, #tpu.memory_space<vmem>>
      %dma_wait3A_442 = arith.constant 0 : i32
      %dma_wait3A_443 = tpu.memref_slice %arg11[%dma_wait3A_442] : memref<10240xf32, #tpu.memory_space<vmem_shared>> -> memref<10240xf32, #tpu.memory_space<vmem_shared>>
      tpu.wait_indirect_dma semaphore(%run_scoped3A_433 : memref<!tpu.dma_semaphore, #tpu.memory_space<semaphore_mem>>) src(%arg13 : memref<128xf32, #tpu.memory_space<vmem>>) dst(%dma_wait3A_443 : memref<10240xf32, #tpu.memory_space<vmem_shared>>)
      tpu.yield
    }) : () -> ()
    %run_scoped3A_25 = arith.constant 1 : i32
    "tpu.region"() ({
      %run_scoped3A_433 = tpu.sem_alloc : memref<!tpu.dma_semaphore, #tpu.memory_space<semaphore_mem>>
      %dma_start3A_434 = arith.constant 0 : i32
      %dma_start3A_435 = tpu.memref_slice %arg12[%run_scoped3A_25, %dma_start3A_434] : memref<4x128xi32, #tpu.memory_space<vmem>> -> memref<1x128xi32, #tpu.memory_space<vmem>>
      %dma_start3A_436 = tpu.memref_squeeze %dma_start3A_435 : memref<1x128xi32, #tpu.memory_space<vmem>> -> memref<128xi32, #tpu.memory_space<vmem>>
      %dma_start3A_437 = arith.constant 0 : i32
      %dma_start3A_438 = tpu.memref_slice %arg11[%dma_start3A_437] : memref<10240xf32, #tpu.memory_space<vmem_shared>> -> memref<10240xf32, #tpu.memory_space<vmem_shared>>
      tpu.enqueue_indirect_dma source(%arg13 : memref<128xf32, #tpu.memory_space<vmem>>) target(%dma_start3A_438 : memref<10240xf32, #tpu.memory_space<vmem_shared>>) offsets(%dma_start3A_436 : memref<128xi32, #tpu.memory_space<vmem>>) semaphore(%run_scoped3A_433 : memref<!tpu.dma_semaphore, #tpu.memory_space<semaphore_mem>>) {add = true}
      %dma_wait3A_439 = arith.constant 0 : i32
      %dma_wait3A_440 = tpu.memref_slice %arg12[%run_scoped3A_25, %dma_wait3A_439] : memref<4x128xi32, #tpu.memory_space<vmem>> -> memref<1x128xi32, #tpu.memory_space<vmem>>
      %dma_wait3A_441 = tpu.memref_squeeze %dma_wait3A_440 : memref<1x128xi32, #tpu.memory_space<vmem>> -> memref<128xi32, #tpu.memory_space<vmem>>
      %dma_wait3A_442 = arith.constant 0 : i32
      %dma_wait3A_443 = tpu.memref_slice %arg11[%dma_wait3A_442] : memref<10240xf32, #tpu.memory_space<vmem_shared>> -> memref<10240xf32, #tpu.memory_space<vmem_shared>>
      tpu.wait_indirect_dma semaphore(%run_scoped3A_433 : memref<!tpu.dma_semaphore, #tpu.memory_space<semaphore_mem>>) src(%arg13 : memref<128xf32, #tpu.memory_space<vmem>>) dst(%dma_wait3A_443 : memref<10240xf32, #tpu.memory_space<vmem_shared>>)
      tpu.yield
    }) : () -> ()
    %run_scoped3A_26 = arith.constant 2 : i32
    "tpu.region"() ({
      %run_scoped3A_433 = tpu.sem_alloc : memref<!tpu.dma_semaphore, #tpu.memory_space<semaphore_mem>>
      %dma_start3A_434 = arith.constant 0 : i32
      %dma_start3A_435 = tpu.memref_slice %arg12[%run_scoped3A_26, %dma_start3A_434] : memref<4x128xi32, #tpu.memory_space<vmem>> -> memref<1x128xi32, #tpu.memory_space<vmem>>
      %dma_start3A_436 = tpu.memref_squeeze %dma_start3A_435 : memref<1x128xi32, #tpu.memory_space<vmem>> -> memref<128xi32, #tpu.memory_space<vmem>>
      %dma_start3A_437 = arith.constant 0 : i32
      %dma_start3A_438 = tpu.memref_slice %arg11[%dma_start3A_437] : memref<10240xf32, #tpu.memory_space<vmem_shared>> -> memref<10240xf32, #tpu.memory_space<vmem_shared>>
      tpu.enqueue_indirect_dma source(%arg13 : memref<128xf32, #tpu.memory_space<vmem>>) target(%dma_start3A_438 : memref<10240xf32, #tpu.memory_space<vmem_shared>>) offsets(%dma_start3A_436 : memref<128xi32, #tpu.memory_space<vmem>>) semaphore(%run_scoped3A_433 : memref<!tpu.dma_semaphore, #tpu.memory_space<semaphore_mem>>) {add = true}
      %dma_wait3A_439 = arith.constant 0 : i32
      %dma_wait3A_440 = tpu.memref_slice %arg12[%run_scoped3A_26, %dma_wait3A_439] : memref<4x128xi32, #tpu.memory_space<vmem>> -> memref<1x128xi32, #tpu.memory_space<vmem>>
      %dma_wait3A_441 = tpu.memref_squeeze %dma_wait3A_440 : memref<1x128xi32, #tpu.memory_space<vmem>> -> memref<128xi32, #tpu.memory_space<vmem>>
      %dma_wait3A_442 = arith.constant 0 : i32
      %dma_wait3A_443 = tpu.memref_slice %arg11[%dma_wait3A_442] : memref<10240xf32, #tpu.memory_space<vmem_shared>> -> memref<10240xf32, #tpu.memory_space<vmem_shared>>
      tpu.wait_indirect_dma semaphore(%run_scoped3A_433 : memref<!tpu.dma_semaphore, #tpu.memory_space<semaphore_mem>>) src(%arg13 : memref<128xf32, #tpu.memory_space<vmem>>) dst(%dma_wait3A_443 : memref<10240xf32, #tpu.memory_space<vmem_shared>>)
      tpu.yield
    }) : () -> ()
    %run_scoped3A_27 = arith.constant 3 : i32
    "tpu.region"() ({
      %run_scoped3A_433 = tpu.sem_alloc : memref<!tpu.dma_semaphore, #tpu.memory_space<semaphore_mem>>
      %dma_start3A_434 = arith.constant 0 : i32
      %dma_start3A_435 = tpu.memref_slice %arg12[%run_scoped3A_27, %dma_start3A_434] : memref<4x128xi32, #tpu.memory_space<vmem>> -> memref<1x128xi32, #tpu.memory_space<vmem>>
      %dma_start3A_436 = tpu.memref_squeeze %dma_start3A_435 : memref<1x128xi32, #tpu.memory_space<vmem>> -> memref<128xi32, #tpu.memory_space<vmem>>
      %dma_start3A_437 = arith.constant 0 : i32
      %dma_start3A_438 = tpu.memref_slice %arg11[%dma_start3A_437] : memref<10240xf32, #tpu.memory_space<vmem_shared>> -> memref<10240xf32, #tpu.memory_space<vmem_shared>>
      tpu.enqueue_indirect_dma source(%arg13 : memref<128xf32, #tpu.memory_space<vmem>>) target(%dma_start3A_438 : memref<10240xf32, #tpu.memory_space<vmem_shared>>) offsets(%dma_start3A_436 : memref<128xi32, #tpu.memory_space<vmem>>) semaphore(%run_scoped3A_433 : memref<!tpu.dma_semaphore, #tpu.memory_space<semaphore_mem>>) {add = true}
      %dma_wait3A_439 = arith.constant 0 : i32
      %dma_wait3A_440 = tpu.memref_slice %arg12[%run_scoped3A_27, %dma_wait3A_439] : memref<4x128xi32, #tpu.memory_space<vmem>> -> memref<1x128xi32, #tpu.memory_space<vmem>>
      %dma_wait3A_441 = tpu.memref_squeeze %dma_wait3A_440 : memref<1x128xi32, #tpu.memory_space<vmem>> -> memref<128xi32, #tpu.memory_space<vmem>>
      %dma_wait3A_442 = arith.constant 0 : i32
      %dma_wait3A_443 = tpu.memref_slice %arg11[%dma_wait3A_442] : memref<10240xf32, #tpu.memory_space<vmem_shared>> -> memref<10240xf32, #tpu.memory_space<vmem_shared>>
      tpu.wait_indirect_dma semaphore(%run_scoped3A_433 : memref<!tpu.dma_semaphore, #tpu.memory_space<semaphore_mem>>) src(%arg13 : memref<128xf32, #tpu.memory_space<vmem>>) dst(%dma_wait3A_443 : memref<10240xf32, #tpu.memory_space<vmem_shared>>)
      tpu.yield
    }) : () -> ()
    %barrier3A_28 = arith.constant 0 : index
    tpu.barrier barrier_id(%barrier3A_28)
    %mul3A_29 = arith.constant 256 : i32
    %mul3A_30 = arith.muli %add3A, %mul3A_29 : i32
    %add3A_31 = arith.constant 0 : i32
    %add3A_32 = arith.addi %mul3A_30, %add3A_31 : i32
    %run_scoped3A_33 = arith.constant 0 : i32
    "tpu.region"() ({
      %run_scoped3A_433 = tpu.sem_alloc : memref<!tpu.dma_semaphore, #tpu.memory_space<semaphore_mem>>
      %dma_start3A_434 = arith.constant 0 : i32
      %dma_start3A_435 = tpu.memref_slice %arg14[%run_scoped3A_33, %dma_start3A_434] : memref<2x128xi32, #tpu.memory_space<vmem>> -> memref<1x128xi32, #tpu.memory_space<vmem>>
      %dma_start3A_436 = tpu.memref_squeeze %dma_start3A_435 : memref<1x128xi32, #tpu.memory_space<vmem>> -> memref<128xi32, #tpu.memory_space<vmem>>
      %dma_start3A_437 = tpu.memref_slice %arg4[%add3A_32] : memref<8192xi32, #tpu.memory_space<hbm>> -> memref<128xi32, #tpu.memory_space<hbm>>
      %dma_start3A_438 = arith.constant 0 : i32
      %dma_start3A_439 = tpu.memref_slice %arg14[%run_scoped3A_33, %dma_start3A_438] : memref<2x128xi32, #tpu.memory_space<vmem>> -> memref<1x128xi32, #tpu.memory_space<vmem>>
      %dma_start3A_440 = tpu.memref_squeeze %dma_start3A_439 : memref<1x128xi32, #tpu.memory_space<vmem>> -> memref<128xi32, #tpu.memory_space<vmem>>
      %dma_start3A_441 = tpu.memref_slice %arg4[%add3A_32] : memref<8192xi32, #tpu.memory_space<hbm>> -> memref<128xi32, #tpu.memory_space<hbm>>
      tpu.enqueue_dma source(%dma_start3A_441 : memref<128xi32, #tpu.memory_space<hbm>>) target(%dma_start3A_440 : memref<128xi32, #tpu.memory_space<vmem>>) target_semaphore(%run_scoped3A_433 : memref<!tpu.dma_semaphore, #tpu.memory_space<semaphore_mem>>)
      %dma_wait3A_442 = arith.constant 0 : i32
      %dma_wait3A_443 = tpu.memref_slice %arg14[%run_scoped3A_33, %dma_wait3A_442] : memref<2x128xi32, #tpu.memory_space<vmem>> -> memref<1x128xi32, #tpu.memory_space<vmem>>
      %dma_wait3A_444 = tpu.memref_squeeze %dma_wait3A_443 : memref<1x128xi32, #tpu.memory_space<vmem>> -> memref<128xi32, #tpu.memory_space<vmem>>
      %dma_wait3A_445 = tpu.memref_slice %arg4[%add3A_32] : memref<8192xi32, #tpu.memory_space<hbm>> -> memref<128xi32, #tpu.memory_space<hbm>>
      %dma_wait3A_446 = arith.constant 0 : i32
      %dma_wait3A_447 = tpu.memref_slice %arg14[%run_scoped3A_33, %dma_wait3A_446] : memref<2x128xi32, #tpu.memory_space<vmem>> -> memref<1x128xi32, #tpu.memory_space<vmem>>
      %dma_wait3A_448 = tpu.memref_squeeze %dma_wait3A_447 : memref<1x128xi32, #tpu.memory_space<vmem>> -> memref<128xi32, #tpu.memory_space<vmem>>
      %dma_wait3A_449 = tpu.memref_slice %arg4[%add3A_32] : memref<8192xi32, #tpu.memory_space<hbm>> -> memref<128xi32, #tpu.memory_space<hbm>>
      tpu.wait_dma2 semaphore(%run_scoped3A_433 : memref<!tpu.dma_semaphore, #tpu.memory_space<semaphore_mem>>) src(%dma_wait3A_449 : memref<128xi32, #tpu.memory_space<hbm>>) dst(%dma_wait3A_448 : memref<128xi32, #tpu.memory_space<vmem>>)
      tpu.yield
    }) : () -> ()
    %add3A_34 = arith.constant 0 : i32
    %add3A_35 = arith.addi %mul3A_30, %add3A_34 : i32
    %run_scoped3A_36 = arith.constant 0 : i32
    "tpu.region"() ({
      %run_scoped3A_433 = tpu.sem_alloc : memref<!tpu.dma_semaphore, #tpu.memory_space<semaphore_mem>>
      %dma_start3A_434 = arith.constant 0 : i32
      %dma_start3A_435 = tpu.memref_slice %arg15[%run_scoped3A_36, %dma_start3A_434] : memref<2x128xi32, #tpu.memory_space<vmem>> -> memref<1x128xi32, #tpu.memory_space<vmem>>
      %dma_start3A_436 = tpu.memref_squeeze %dma_start3A_435 : memref<1x128xi32, #tpu.memory_space<vmem>> -> memref<128xi32, #tpu.memory_space<vmem>>
      %dma_start3A_437 = tpu.memref_slice %arg3[%add3A_35] : memref<8192xi32, #tpu.memory_space<hbm>> -> memref<128xi32, #tpu.memory_space<hbm>>
      %dma_start3A_438 = arith.constant 0 : i32
      %dma_start3A_439 = tpu.memref_slice %arg15[%run_scoped3A_36, %dma_start3A_438] : memref<2x128xi32, #tpu.memory_space<vmem>> -> memref<1x128xi32, #tpu.memory_space<vmem>>
      %dma_start3A_440 = tpu.memref_squeeze %dma_start3A_439 : memref<1x128xi32, #tpu.memory_space<vmem>> -> memref<128xi32, #tpu.memory_space<vmem>>
      %dma_start3A_441 = tpu.memref_slice %arg3[%add3A_35] : memref<8192xi32, #tpu.memory_space<hbm>> -> memref<128xi32, #tpu.memory_space<hbm>>
      tpu.enqueue_dma source(%dma_start3A_441 : memref<128xi32, #tpu.memory_space<hbm>>) target(%dma_start3A_440 : memref<128xi32, #tpu.memory_space<vmem>>) target_semaphore(%run_scoped3A_433 : memref<!tpu.dma_semaphore, #tpu.memory_space<semaphore_mem>>)
      %dma_wait3A_442 = arith.constant 0 : i32
      %dma_wait3A_443 = tpu.memref_slice %arg15[%run_scoped3A_36, %dma_wait3A_442] : memref<2x128xi32, #tpu.memory_space<vmem>> -> memref<1x128xi32, #tpu.memory_space<vmem>>
      %dma_wait3A_444 = tpu.memref_squeeze %dma_wait3A_443 : memref<1x128xi32, #tpu.memory_space<vmem>> -> memref<128xi32, #tpu.memory_space<vmem>>
      %dma_wait3A_445 = tpu.memref_slice %arg3[%add3A_35] : memref<8192xi32, #tpu.memory_space<hbm>> -> memref<128xi32, #tpu.memory_space<hbm>>
      %dma_wait3A_446 = arith.constant 0 : i32
      %dma_wait3A_447 = tpu.memref_slice %arg15[%run_scoped3A_36, %dma_wait3A_446] : memref<2x128xi32, #tpu.memory_space<vmem>> -> memref<1x128xi32, #tpu.memory_space<vmem>>
      %dma_wait3A_448 = tpu.memref_squeeze %dma_wait3A_447 : memref<1x128xi32, #tpu.memory_space<vmem>> -> memref<128xi32, #tpu.memory_space<vmem>>
      %dma_wait3A_449 = tpu.memref_slice %arg3[%add3A_35] : memref<8192xi32, #tpu.memory_space<hbm>> -> memref<128xi32, #tpu.memory_space<hbm>>
      tpu.wait_dma2 semaphore(%run_scoped3A_433 : memref<!tpu.dma_semaphore, #tpu.memory_space<semaphore_mem>>) src(%dma_wait3A_449 : memref<128xi32, #tpu.memory_space<hbm>>) dst(%dma_wait3A_448 : memref<128xi32, #tpu.memory_space<vmem>>)
      tpu.yield
    }) : () -> ()
    %add3A_37 = arith.constant 128 : i32
    %add3A_38 = arith.addi %mul3A_30, %add3A_37 : i32
    %run_scoped3A_39 = arith.constant 1 : i32
    "tpu.region"() ({
      %run_scoped3A_433 = tpu.sem_alloc : memref<!tpu.dma_semaphore, #tpu.memory_space<semaphore_mem>>
      %dma_start3A_434 = arith.constant 0 : i32
      %dma_start3A_435 = tpu.memref_slice %arg14[%run_scoped3A_39, %dma_start3A_434] : memref<2x128xi32, #tpu.memory_space<vmem>> -> memref<1x128xi32, #tpu.memory_space<vmem>>
      %dma_start3A_436 = tpu.memref_squeeze %dma_start3A_435 : memref<1x128xi32, #tpu.memory_space<vmem>> -> memref<128xi32, #tpu.memory_space<vmem>>
      %dma_start3A_437 = tpu.memref_slice %arg4[%add3A_38] : memref<8192xi32, #tpu.memory_space<hbm>> -> memref<128xi32, #tpu.memory_space<hbm>>
      %dma_start3A_438 = arith.constant 0 : i32
      %dma_start3A_439 = tpu.memref_slice %arg14[%run_scoped3A_39, %dma_start3A_438] : memref<2x128xi32, #tpu.memory_space<vmem>> -> memref<1x128xi32, #tpu.memory_space<vmem>>
      %dma_start3A_440 = tpu.memref_squeeze %dma_start3A_439 : memref<1x128xi32, #tpu.memory_space<vmem>> -> memref<128xi32, #tpu.memory_space<vmem>>
      %dma_start3A_441 = tpu.memref_slice %arg4[%add3A_38] : memref<8192xi32, #tpu.memory_space<hbm>> -> memref<128xi32, #tpu.memory_space<hbm>>
      tpu.enqueue_dma source(%dma_start3A_441 : memref<128xi32, #tpu.memory_space<hbm>>) target(%dma_start3A_440 : memref<128xi32, #tpu.memory_space<vmem>>) target_semaphore(%run_scoped3A_433 : memref<!tpu.dma_semaphore, #tpu.memory_space<semaphore_mem>>)
      %dma_wait3A_442 = arith.constant 0 : i32
      %dma_wait3A_443 = tpu.memref_slice %arg14[%run_scoped3A_39, %dma_wait3A_442] : memref<2x128xi32, #tpu.memory_space<vmem>> -> memref<1x128xi32, #tpu.memory_space<vmem>>
      %dma_wait3A_444 = tpu.memref_squeeze %dma_wait3A_443 : memref<1x128xi32, #tpu.memory_space<vmem>> -> memref<128xi32, #tpu.memory_space<vmem>>
      %dma_wait3A_445 = tpu.memref_slice %arg4[%add3A_38] : memref<8192xi32, #tpu.memory_space<hbm>> -> memref<128xi32, #tpu.memory_space<hbm>>
      %dma_wait3A_446 = arith.constant 0 : i32
      %dma_wait3A_447 = tpu.memref_slice %arg14[%run_scoped3A_39, %dma_wait3A_446] : memref<2x128xi32, #tpu.memory_space<vmem>> -> memref<1x128xi32, #tpu.memory_space<vmem>>
      %dma_wait3A_448 = tpu.memref_squeeze %dma_wait3A_447 : memref<1x128xi32, #tpu.memory_space<vmem>> -> memref<128xi32, #tpu.memory_space<vmem>>
      %dma_wait3A_449 = tpu.memref_slice %arg4[%add3A_38] : memref<8192xi32, #tpu.memory_space<hbm>> -> memref<128xi32, #tpu.memory_space<hbm>>
      tpu.wait_dma2 semaphore(%run_scoped3A_433 : memref<!tpu.dma_semaphore, #tpu.memory_space<semaphore_mem>>) src(%dma_wait3A_449 : memref<128xi32, #tpu.memory_space<hbm>>) dst(%dma_wait3A_448 : memref<128xi32, #tpu.memory_space<vmem>>)
      tpu.yield
    }) : () -> ()
    %add3A_40 = arith.constant 128 : i32
    %add3A_41 = arith.addi %mul3A_30, %add3A_40 : i32
    %run_scoped3A_42 = arith.constant 1 : i32
    "tpu.region"() ({
      %run_scoped3A_433 = tpu.sem_alloc : memref<!tpu.dma_semaphore, #tpu.memory_space<semaphore_mem>>
      %dma_start3A_434 = arith.constant 0 : i32
      %dma_start3A_435 = tpu.memref_slice %arg15[%run_scoped3A_42, %dma_start3A_434] : memref<2x128xi32, #tpu.memory_space<vmem>> -> memref<1x128xi32, #tpu.memory_space<vmem>>
      %dma_start3A_436 = tpu.memref_squeeze %dma_start3A_435 : memref<1x128xi32, #tpu.memory_space<vmem>> -> memref<128xi32, #tpu.memory_space<vmem>>
      %dma_start3A_437 = tpu.memref_slice %arg3[%add3A_41] : memref<8192xi32, #tpu.memory_space<hbm>> -> memref<128xi32, #tpu.memory_space<hbm>>
      %dma_start3A_438 = arith.constant 0 : i32
      %dma_start3A_439 = tpu.memref_slice %arg15[%run_scoped3A_42, %dma_start3A_438] : memref<2x128xi32, #tpu.memory_space<vmem>> -> memref<1x128xi32, #tpu.memory_space<vmem>>
      %dma_start3A_440 = tpu.memref_squeeze %dma_start3A_439 : memref<1x128xi32, #tpu.memory_space<vmem>> -> memref<128xi32, #tpu.memory_space<vmem>>
      %dma_start3A_441 = tpu.memref_slice %arg3[%add3A_41] : memref<8192xi32, #tpu.memory_space<hbm>> -> memref<128xi32, #tpu.memory_space<hbm>>
      tpu.enqueue_dma source(%dma_start3A_441 : memref<128xi32, #tpu.memory_space<hbm>>) target(%dma_start3A_440 : memref<128xi32, #tpu.memory_space<vmem>>) target_semaphore(%run_scoped3A_433 : memref<!tpu.dma_semaphore, #tpu.memory_space<semaphore_mem>>)
      %dma_wait3A_442 = arith.constant 0 : i32
      %dma_wait3A_443 = tpu.memref_slice %arg15[%run_scoped3A_42, %dma_wait3A_442] : memref<2x128xi32, #tpu.memory_space<vmem>> -> memref<1x128xi32, #tpu.memory_space<vmem>>
      %dma_wait3A_444 = tpu.memref_squeeze %dma_wait3A_443 : memref<1x128xi32, #tpu.memory_space<vmem>> -> memref<128xi32, #tpu.memory_space<vmem>>
      %dma_wait3A_445 = tpu.memref_slice %arg3[%add3A_41] : memref<8192xi32, #tpu.memory_space<hbm>> -> memref<128xi32, #tpu.memory_space<hbm>>
      %dma_wait3A_446 = arith.constant 0 : i32
      %dma_wait3A_447 = tpu.memref_slice %arg15[%run_scoped3A_42, %dma_wait3A_446] : memref<2x128xi32, #tpu.memory_space<vmem>> -> memref<1x128xi32, #tpu.memory_space<vmem>>
      %dma_wait3A_448 = tpu.memref_squeeze %dma_wait3A_447 : memref<1x128xi32, #tpu.memory_space<vmem>> -> memref<128xi32, #tpu.memory_space<vmem>>
      %dma_wait3A_449 = tpu.memref_slice %arg3[%add3A_41] : memref<8192xi32, #tpu.memory_space<hbm>> -> memref<128xi32, #tpu.memory_space<hbm>>
      tpu.wait_dma2 semaphore(%run_scoped3A_433 : memref<!tpu.dma_semaphore, #tpu.memory_space<semaphore_mem>>) src(%dma_wait3A_449 : memref<128xi32, #tpu.memory_space<hbm>>) dst(%dma_wait3A_448 : memref<128xi32, #tpu.memory_space<vmem>>)
      tpu.yield
    }) : () -> ()
    %dma_start3A = arith.constant 0 : i32
    %dma_start3A_43 = arith.constant 0 : i32
    %dma_start3A_44 = tpu.memref_slice %arg15[%dma_start3A, %dma_start3A_43] : memref<2x128xi32, #tpu.memory_space<vmem>> -> memref<1x128xi32, #tpu.memory_space<vmem>>
    %dma_start3A_45 = tpu.memref_squeeze %dma_start3A_44 : memref<1x128xi32, #tpu.memory_space<vmem>> -> memref<128xi32, #tpu.memory_space<vmem>>
    %dma_start3A_46 = arith.constant 0 : i32
    %dma_start3A_47 = arith.constant 0 : i32
    %dma_start3A_48 = tpu.memref_slice %arg2[%dma_start3A_46, %dma_start3A_47] : memref<10000x128xf32, #tpu.memory_space<hbm>> -> memref<10000x128xf32, #tpu.memory_space<hbm>>
    tpu.enqueue_indirect_dma source(%dma_start3A_48 : memref<10000x128xf32, #tpu.memory_space<hbm>>) target(%arg19 : memref<128x128xf32, #tpu.memory_space<vmem>>) offsets(%dma_start3A_45 : memref<128xi32, #tpu.memory_space<vmem>>) semaphore(%arg22 : memref<!tpu.dma_semaphore, #tpu.memory_space<semaphore_mem>>)
    %dma_start3A_49 = arith.constant 1 : i32
    %dma_start3A_50 = arith.constant 0 : i32
    %dma_start3A_51 = tpu.memref_slice %arg15[%dma_start3A_49, %dma_start3A_50] : memref<2x128xi32, #tpu.memory_space<vmem>> -> memref<1x128xi32, #tpu.memory_space<vmem>>
    %dma_start3A_52 = tpu.memref_squeeze %dma_start3A_51 : memref<1x128xi32, #tpu.memory_space<vmem>> -> memref<128xi32, #tpu.memory_space<vmem>>
    %dma_start3A_53 = arith.constant 0 : i32
    %dma_start3A_54 = arith.constant 0 : i32
    %dma_start3A_55 = tpu.memref_slice %arg2[%dma_start3A_53, %dma_start3A_54] : memref<10000x128xf32, #tpu.memory_space<hbm>> -> memref<10000x128xf32, #tpu.memory_space<hbm>>
    tpu.enqueue_indirect_dma source(%dma_start3A_55 : memref<10000x128xf32, #tpu.memory_space<hbm>>) target(%arg20 : memref<128x128xf32, #tpu.memory_space<vmem>>) offsets(%dma_start3A_52 : memref<128xi32, #tpu.memory_space<vmem>>) semaphore(%arg22 : memref<!tpu.dma_semaphore, #tpu.memory_space<semaphore_mem>>)
    %dma_start3A_56 = arith.constant 0 : i32
    %dma_start3A_57 = arith.constant 0 : i32
    %dma_start3A_58 = arith.constant 0 : i32
    %dma_start3A_59 = tpu.memref_slice %arg16[%dma_start3A_57, %dma_start3A_58] : memref<2x128xf32, #tpu.memory_space<vmem>> -> memref<1x128xf32, #tpu.memory_space<vmem>>
    %dma_start3A_60 = tpu.memref_squeeze %dma_start3A_59 : memref<1x128xf32, #tpu.memory_space<vmem>> -> memref<128xf32, #tpu.memory_space<vmem>>
    %dma_start3A_61 = arith.constant 0 : i32
    %dma_start3A_62 = tpu.memref_slice %arg14[%dma_start3A_56, %dma_start3A_61] : memref<2x128xi32, #tpu.memory_space<vmem>> -> memref<1x128xi32, #tpu.memory_space<vmem>>
    %dma_start3A_63 = tpu.memref_squeeze %dma_start3A_62 : memref<1x128xi32, #tpu.memory_space<vmem>> -> memref<128xi32, #tpu.memory_space<vmem>>
    %dma_start3A_64 = arith.constant 0 : i32
    %dma_start3A_65 = tpu.memref_slice %arg11[%dma_start3A_64] : memref<10240xf32, #tpu.memory_space<vmem_shared>> -> memref<10240xf32, #tpu.memory_space<vmem_shared>>
    tpu.enqueue_indirect_dma source(%dma_start3A_65 : memref<10240xf32, #tpu.memory_space<vmem_shared>>) target(%dma_start3A_60 : memref<128xf32, #tpu.memory_space<vmem>>) offsets(%dma_start3A_63 : memref<128xi32, #tpu.memory_space<vmem>>) semaphore(%arg21 : memref<!tpu.dma_semaphore, #tpu.memory_space<semaphore_mem>>)
    %dma_wait3A = arith.constant 0 : i32
    %dma_wait3A_66 = arith.constant 0 : i32
    %dma_wait3A_67 = arith.constant 0 : i32
    %dma_wait3A_68 = tpu.memref_slice %arg16[%dma_wait3A_66, %dma_wait3A_67] : memref<2x128xf32, #tpu.memory_space<vmem>> -> memref<1x128xf32, #tpu.memory_space<vmem>>
    %dma_wait3A_69 = tpu.memref_squeeze %dma_wait3A_68 : memref<1x128xf32, #tpu.memory_space<vmem>> -> memref<128xf32, #tpu.memory_space<vmem>>
    %dma_wait3A_70 = arith.constant 0 : i32
    %dma_wait3A_71 = tpu.memref_slice %arg14[%dma_wait3A, %dma_wait3A_70] : memref<2x128xi32, #tpu.memory_space<vmem>> -> memref<1x128xi32, #tpu.memory_space<vmem>>
    %dma_wait3A_72 = tpu.memref_squeeze %dma_wait3A_71 : memref<1x128xi32, #tpu.memory_space<vmem>> -> memref<128xi32, #tpu.memory_space<vmem>>
    %dma_wait3A_73 = arith.constant 0 : i32
    %dma_wait3A_74 = tpu.memref_slice %arg11[%dma_wait3A_73] : memref<10240xf32, #tpu.memory_space<vmem_shared>> -> memref<10240xf32, #tpu.memory_space<vmem_shared>>
    tpu.wait_indirect_dma semaphore(%arg21 : memref<!tpu.dma_semaphore, #tpu.memory_space<semaphore_mem>>) src(%dma_wait3A_74 : memref<10240xf32, #tpu.memory_space<vmem_shared>>) dst(%dma_wait3A_69 : memref<128xf32, #tpu.memory_space<vmem>>)
    %dma_start3A_75 = arith.constant 0 : i32
    %dma_start3A_76 = arith.constant 0 : i32
    %dma_start3A_77 = arith.constant 0 : i32
    %dma_start3A_78 = tpu.memref_slice %arg18[%dma_start3A_76, %dma_start3A_77] : memref<2x128xi32, #tpu.memory_space<vmem>> -> memref<1x128xi32, #tpu.memory_space<vmem>>
    %dma_start3A_79 = tpu.memref_squeeze %dma_start3A_78 : memref<1x128xi32, #tpu.memory_space<vmem>> -> memref<128xi32, #tpu.memory_space<vmem>>
    %dma_start3A_80 = arith.constant 0 : i32
    %dma_start3A_81 = tpu.memref_slice %arg14[%dma_start3A_75, %dma_start3A_80] : memref<2x128xi32, #tpu.memory_space<vmem>> -> memref<1x128xi32, #tpu.memory_space<vmem>>
    %dma_start3A_82 = tpu.memref_squeeze %dma_start3A_81 : memref<1x128xi32, #tpu.memory_space<vmem>> -> memref<128xi32, #tpu.memory_space<vmem>>
    %dma_start3A_83 = arith.constant 0 : i32
    %dma_start3A_84 = tpu.memref_slice %arg5[%dma_start3A_83] : memref<10000xi32, #tpu.memory_space<hbm>> -> memref<10000xi32, #tpu.memory_space<hbm>>
    tpu.enqueue_indirect_dma source(%dma_start3A_84 : memref<10000xi32, #tpu.memory_space<hbm>>) target(%dma_start3A_79 : memref<128xi32, #tpu.memory_space<vmem>>) offsets(%dma_start3A_82 : memref<128xi32, #tpu.memory_space<vmem>>) semaphore(%arg21 : memref<!tpu.dma_semaphore, #tpu.memory_space<semaphore_mem>>)
    %dma_wait3A_85 = arith.constant 0 : i32
    %dma_wait3A_86 = arith.constant 0 : i32
    %dma_wait3A_87 = arith.constant 0 : i32
    %dma_wait3A_88 = tpu.memref_slice %arg18[%dma_wait3A_86, %dma_wait3A_87] : memref<2x128xi32, #tpu.memory_space<vmem>> -> memref<1x128xi32, #tpu.memory_space<vmem>>
    %dma_wait3A_89 = tpu.memref_squeeze %dma_wait3A_88 : memref<1x128xi32, #tpu.memory_space<vmem>> -> memref<128xi32, #tpu.memory_space<vmem>>
    %dma_wait3A_90 = arith.constant 0 : i32
    %dma_wait3A_91 = tpu.memref_slice %arg14[%dma_wait3A_85, %dma_wait3A_90] : memref<2x128xi32, #tpu.memory_space<vmem>> -> memref<1x128xi32, #tpu.memory_space<vmem>>
    %dma_wait3A_92 = tpu.memref_squeeze %dma_wait3A_91 : memref<1x128xi32, #tpu.memory_space<vmem>> -> memref<128xi32, #tpu.memory_space<vmem>>
    %dma_wait3A_93 = arith.constant 0 : i32
    %dma_wait3A_94 = tpu.memref_slice %arg5[%dma_wait3A_93] : memref<10000xi32, #tpu.memory_space<hbm>> -> memref<10000xi32, #tpu.memory_space<hbm>>
    tpu.wait_indirect_dma semaphore(%arg21 : memref<!tpu.dma_semaphore, #tpu.memory_space<semaphore_mem>>) src(%dma_wait3A_94 : memref<10000xi32, #tpu.memory_space<hbm>>) dst(%dma_wait3A_89 : memref<128xi32, #tpu.memory_space<vmem>>)
    %dma_start3A_95 = arith.constant 1 : i32
    %dma_start3A_96 = arith.constant 1 : i32
    %dma_start3A_97 = arith.constant 0 : i32
    %dma_start3A_98 = tpu.memref_slice %arg16[%dma_start3A_96, %dma_start3A_97] : memref<2x128xf32, #tpu.memory_space<vmem>> -> memref<1x128xf32, #tpu.memory_space<vmem>>
    %dma_start3A_99 = tpu.memref_squeeze %dma_start3A_98 : memref<1x128xf32, #tpu.memory_space<vmem>> -> memref<128xf32, #tpu.memory_space<vmem>>
    %dma_start3A_100 = arith.constant 0 : i32
    %dma_start3A_101 = tpu.memref_slice %arg14[%dma_start3A_95, %dma_start3A_100] : memref<2x128xi32, #tpu.memory_space<vmem>> -> memref<1x128xi32, #tpu.memory_space<vmem>>
    %dma_start3A_102 = tpu.memref_squeeze %dma_start3A_101 : memref<1x128xi32, #tpu.memory_space<vmem>> -> memref<128xi32, #tpu.memory_space<vmem>>
    %dma_start3A_103 = arith.constant 0 : i32
    %dma_start3A_104 = tpu.memref_slice %arg11[%dma_start3A_103] : memref<10240xf32, #tpu.memory_space<vmem_shared>> -> memref<10240xf32, #tpu.memory_space<vmem_shared>>
    tpu.enqueue_indirect_dma source(%dma_start3A_104 : memref<10240xf32, #tpu.memory_space<vmem_shared>>) target(%dma_start3A_99 : memref<128xf32, #tpu.memory_space<vmem>>) offsets(%dma_start3A_102 : memref<128xi32, #tpu.memory_space<vmem>>) semaphore(%arg21 : memref<!tpu.dma_semaphore, #tpu.memory_space<semaphore_mem>>)
    %dma_wait3A_105 = arith.constant 1 : i32
    %dma_wait3A_106 = arith.constant 1 : i32
    %dma_wait3A_107 = arith.constant 0 : i32
    %dma_wait3A_108 = tpu.memref_slice %arg16[%dma_wait3A_106, %dma_wait3A_107] : memref<2x128xf32, #tpu.memory_space<vmem>> -> memref<1x128xf32, #tpu.memory_space<vmem>>
    %dma_wait3A_109 = tpu.memref_squeeze %dma_wait3A_108 : memref<1x128xf32, #tpu.memory_space<vmem>> -> memref<128xf32, #tpu.memory_space<vmem>>
    %dma_wait3A_110 = arith.constant 0 : i32
    %dma_wait3A_111 = tpu.memref_slice %arg14[%dma_wait3A_105, %dma_wait3A_110] : memref<2x128xi32, #tpu.memory_space<vmem>> -> memref<1x128xi32, #tpu.memory_space<vmem>>
    %dma_wait3A_112 = tpu.memref_squeeze %dma_wait3A_111 : memref<1x128xi32, #tpu.memory_space<vmem>> -> memref<128xi32, #tpu.memory_space<vmem>>
    %dma_wait3A_113 = arith.constant 0 : i32
    %dma_wait3A_114 = tpu.memref_slice %arg11[%dma_wait3A_113] : memref<10240xf32, #tpu.memory_space<vmem_shared>> -> memref<10240xf32, #tpu.memory_space<vmem_shared>>
    tpu.wait_indirect_dma semaphore(%arg21 : memref<!tpu.dma_semaphore, #tpu.memory_space<semaphore_mem>>) src(%dma_wait3A_114 : memref<10240xf32, #tpu.memory_space<vmem_shared>>) dst(%dma_wait3A_109 : memref<128xf32, #tpu.memory_space<vmem>>)
    %dma_start3A_115 = arith.constant 1 : i32
    %dma_start3A_116 = arith.constant 1 : i32
    %dma_start3A_117 = arith.constant 0 : i32
    %dma_start3A_118 = tpu.memref_slice %arg18[%dma_start3A_116, %dma_start3A_117] : memref<2x128xi32, #tpu.memory_space<vmem>> -> memref<1x128xi32, #tpu.memory_space<vmem>>
    %dma_start3A_119 = tpu.memref_squeeze %dma_start3A_118 : memref<1x128xi32, #tpu.memory_space<vmem>> -> memref<128xi32, #tpu.memory_space<vmem>>
    %dma_start3A_120 = arith.constant 0 : i32
    %dma_start3A_121 = tpu.memref_slice %arg14[%dma_start3A_115, %dma_start3A_120] : memref<2x128xi32, #tpu.memory_space<vmem>> -> memref<1x128xi32, #tpu.memory_space<vmem>>
    %dma_start3A_122 = tpu.memref_squeeze %dma_start3A_121 : memref<1x128xi32, #tpu.memory_space<vmem>> -> memref<128xi32, #tpu.memory_space<vmem>>
    %dma_start3A_123 = arith.constant 0 : i32
    %dma_start3A_124 = tpu.memref_slice %arg5[%dma_start3A_123] : memref<10000xi32, #tpu.memory_space<hbm>> -> memref<10000xi32, #tpu.memory_space<hbm>>
    tpu.enqueue_indirect_dma source(%dma_start3A_124 : memref<10000xi32, #tpu.memory_space<hbm>>) target(%dma_start3A_119 : memref<128xi32, #tpu.memory_space<vmem>>) offsets(%dma_start3A_122 : memref<128xi32, #tpu.memory_space<vmem>>) semaphore(%arg21 : memref<!tpu.dma_semaphore, #tpu.memory_space<semaphore_mem>>)
    %dma_wait3A_125 = arith.constant 1 : i32
    %dma_wait3A_126 = arith.constant 1 : i32
    %dma_wait3A_127 = arith.constant 0 : i32
    %dma_wait3A_128 = tpu.memref_slice %arg18[%dma_wait3A_126, %dma_wait3A_127] : memref<2x128xi32, #tpu.memory_space<vmem>> -> memref<1x128xi32, #tpu.memory_space<vmem>>
    %dma_wait3A_129 = tpu.memref_squeeze %dma_wait3A_128 : memref<1x128xi32, #tpu.memory_space<vmem>> -> memref<128xi32, #tpu.memory_space<vmem>>
    %dma_wait3A_130 = arith.constant 0 : i32
    %dma_wait3A_131 = tpu.memref_slice %arg14[%dma_wait3A_125, %dma_wait3A_130] : memref<2x128xi32, #tpu.memory_space<vmem>> -> memref<1x128xi32, #tpu.memory_space<vmem>>
    %dma_wait3A_132 = tpu.memref_squeeze %dma_wait3A_131 : memref<1x128xi32, #tpu.memory_space<vmem>> -> memref<128xi32, #tpu.memory_space<vmem>>
    %dma_wait3A_133 = arith.constant 0 : i32
    %dma_wait3A_134 = tpu.memref_slice %arg5[%dma_wait3A_133] : memref<10000xi32, #tpu.memory_space<hbm>> -> memref<10000xi32, #tpu.memory_space<hbm>>
    tpu.wait_indirect_dma semaphore(%arg21 : memref<!tpu.dma_semaphore, #tpu.memory_space<semaphore_mem>>) src(%dma_wait3A_134 : memref<10000xi32, #tpu.memory_space<hbm>>) dst(%dma_wait3A_129 : memref<128xi32, #tpu.memory_space<vmem>>)
    %get3A = arith.constant 0 : i32
    %get3A_135 = arith.index_cast %get3A : i32 to index
    %get3A_136 = arith.constant 0 : index
    %get3A_137 = tpu.vector_load %arg16[%get3A_135, %get3A_136] {strides = array<i32>} : memref<2x128xf32, #tpu.memory_space<vmem>>, vector<1x16xf32>,
    %get3A_138 = vector.shape_cast %get3A_137 : vector<1x16xf32> to vector<16xf32>
    %max3A = arith.constant 1.000000e+00 : f32
    %max3A_139 = vector.broadcast %max3A : f32 to vector<16xf32>
    %max3A_140 = arith.maximumf %get3A_138, %max3A_139 : vector<16xf32>
    %div3A = arith.constant 1.000000e+00 : f32
    %div3A_141 = vector.broadcast %div3A : f32 to vector<16xf32>
    %div3A_142 = arith.divf %div3A_141, %max3A_140 : vector<16xf32>
    %swap3A = arith.constant 0 : i32
    %swap3A_143 = arith.index_cast %swap3A : i32 to index
    %swap3A_144 = arith.constant 0 : index
    %swap3A_145 = tpu.vector_load %arg17[%swap3A_143, %swap3A_144] {strides = array<i32>} : memref<2x128xf32, #tpu.memory_space<vmem>>, vector<1x16xf32>,
    %swap3A_146 = vector.shape_cast %swap3A_145 : vector<1x16xf32> to vector<16xf32>
    %swap3A_147 = vector.shape_cast %div3A_142 : vector<16xf32> to vector<1x16xf32>
    tpu.vector_store %arg17[%swap3A_143, %swap3A_144], %swap3A_147 {strides = array<i32>} : memref<2x128xf32, #tpu.memory_space<vmem>>, vector<1x16xf32>,
    %get3A_148 = arith.constant 0 : i32
    %get3A_149 = arith.index_cast %get3A_148 : i32 to index
    %get3A_150 = arith.constant 16 : index
    %get3A_151 = tpu.vector_load %arg16[%get3A_149, %get3A_150] {strides = array<i32>} : memref<2x128xf32, #tpu.memory_space<vmem>>, vector<1x16xf32>,
    %get3A_152 = vector.shape_cast %get3A_151 : vector<1x16xf32> to vector<16xf32>
    %max3A_153 = arith.constant 1.000000e+00 : f32
    %max3A_154 = vector.broadcast %max3A_153 : f32 to vector<16xf32>
    %max3A_155 = arith.maximumf %get3A_152, %max3A_154 : vector<16xf32>
    %div3A_156 = arith.constant 1.000000e+00 : f32
    %div3A_157 = vector.broadcast %div3A_156 : f32 to vector<16xf32>
    %div3A_158 = arith.divf %div3A_157, %max3A_155 : vector<16xf32>
    %swap3A_159 = arith.constant 0 : i32
    %swap3A_160 = arith.index_cast %swap3A_159 : i32 to index
    %swap3A_161 = arith.constant 16 : index
    %swap3A_162 = tpu.vector_load %arg17[%swap3A_160, %swap3A_161] {strides = array<i32>} : memref<2x128xf32, #tpu.memory_space<vmem>>, vector<1x16xf32>,
    %swap3A_163 = vector.shape_cast %swap3A_162 : vector<1x16xf32> to vector<16xf32>
    %swap3A_164 = vector.shape_cast %div3A_158 : vector<16xf32> to vector<1x16xf32>
    tpu.vector_store %arg17[%swap3A_160, %swap3A_161], %swap3A_164 {strides = array<i32>} : memref<2x128xf32, #tpu.memory_space<vmem>>, vector<1x16xf32>,
    %get3A_165 = arith.constant 0 : i32
    %get3A_166 = arith.index_cast %get3A_165 : i32 to index
    %get3A_167 = arith.constant 32 : index
    %get3A_168 = tpu.vector_load %arg16[%get3A_166, %get3A_167] {strides = array<i32>} : memref<2x128xf32, #tpu.memory_space<vmem>>, vector<1x16xf32>,
    %get3A_169 = vector.shape_cast %get3A_168 : vector<1x16xf32> to vector<16xf32>
    %max3A_170 = arith.constant 1.000000e+00 : f32
    %max3A_171 = vector.broadcast %max3A_170 : f32 to vector<16xf32>
    %max3A_172 = arith.maximumf %get3A_169, %max3A_171 : vector<16xf32>
    %div3A_173 = arith.constant 1.000000e+00 : f32
    %div3A_174 = vector.broadcast %div3A_173 : f32 to vector<16xf32>
    %div3A_175 = arith.divf %div3A_174, %max3A_172 : vector<16xf32>
    %swap3A_176 = arith.constant 0 : i32
    %swap3A_177 = arith.index_cast %swap3A_176 : i32 to index
    %swap3A_178 = arith.constant 32 : index
    %swap3A_179 = tpu.vector_load %arg17[%swap3A_177, %swap3A_178] {strides = array<i32>} : memref<2x128xf32, #tpu.memory_space<vmem>>, vector<1x16xf32>,
    %swap3A_180 = vector.shape_cast %swap3A_179 : vector<1x16xf32> to vector<16xf32>
    %swap3A_181 = vector.shape_cast %div3A_175 : vector<16xf32> to vector<1x16xf32>
    tpu.vector_store %arg17[%swap3A_177, %swap3A_178], %swap3A_181 {strides = array<i32>} : memref<2x128xf32, #tpu.memory_space<vmem>>, vector<1x16xf32>,
    %get3A_182 = arith.constant 0 : i32
    %get3A_183 = arith.index_cast %get3A_182 : i32 to index
    %get3A_184 = arith.constant 48 : index
    %get3A_185 = tpu.vector_load %arg16[%get3A_183, %get3A_184] {strides = array<i32>} : memref<2x128xf32, #tpu.memory_space<vmem>>, vector<1x16xf32>,
    %get3A_186 = vector.shape_cast %get3A_185 : vector<1x16xf32> to vector<16xf32>
    %max3A_187 = arith.constant 1.000000e+00 : f32
    %max3A_188 = vector.broadcast %max3A_187 : f32 to vector<16xf32>
    %max3A_189 = arith.maximumf %get3A_186, %max3A_188 : vector<16xf32>
    %div3A_190 = arith.constant 1.000000e+00 : f32
    %div3A_191 = vector.broadcast %div3A_190 : f32 to vector<16xf32>
    %div3A_192 = arith.divf %div3A_191, %max3A_189 : vector<16xf32>
    %swap3A_193 = arith.constant 0 : i32
    %swap3A_194 = arith.index_cast %swap3A_193 : i32 to index
    %swap3A_195 = arith.constant 48 : index
    %swap3A_196 = tpu.vector_load %arg17[%swap3A_194, %swap3A_195] {strides = array<i32>} : memref<2x128xf32, #tpu.memory_space<vmem>>, vector<1x16xf32>,
    %swap3A_197 = vector.shape_cast %swap3A_196 : vector<1x16xf32> to vector<16xf32>
    %swap3A_198 = vector.shape_cast %div3A_192 : vector<16xf32> to vector<1x16xf32>
    tpu.vector_store %arg17[%swap3A_194, %swap3A_195], %swap3A_198 {strides = array<i32>} : memref<2x128xf32, #tpu.memory_space<vmem>>, vector<1x16xf32>,
    %get3A_199 = arith.constant 0 : i32
    %get3A_200 = arith.index_cast %get3A_199 : i32 to index
    %get3A_201 = arith.constant 64 : index
    %get3A_202 = tpu.vector_load %arg16[%get3A_200, %get3A_201] {strides = array<i32>} : memref<2x128xf32, #tpu.memory_space<vmem>>, vector<1x16xf32>,
    %get3A_203 = vector.shape_cast %get3A_202 : vector<1x16xf32> to vector<16xf32>
    %max3A_204 = arith.constant 1.000000e+00 : f32
    %max3A_205 = vector.broadcast %max3A_204 : f32 to vector<16xf32>
    %max3A_206 = arith.maximumf %get3A_203, %max3A_205 : vector<16xf32>
    %div3A_207 = arith.constant 1.000000e+00 : f32
    %div3A_208 = vector.broadcast %div3A_207 : f32 to vector<16xf32>
    %div3A_209 = arith.divf %div3A_208, %max3A_206 : vector<16xf32>
    %swap3A_210 = arith.constant 0 : i32
    %swap3A_211 = arith.index_cast %swap3A_210 : i32 to index
    %swap3A_212 = arith.constant 64 : index
    %swap3A_213 = tpu.vector_load %arg17[%swap3A_211, %swap3A_212] {strides = array<i32>} : memref<2x128xf32, #tpu.memory_space<vmem>>, vector<1x16xf32>,
    %swap3A_214 = vector.shape_cast %swap3A_213 : vector<1x16xf32> to vector<16xf32>
    %swap3A_215 = vector.shape_cast %div3A_209 : vector<16xf32> to vector<1x16xf32>
    tpu.vector_store %arg17[%swap3A_211, %swap3A_212], %swap3A_215 {strides = array<i32>} : memref<2x128xf32, #tpu.memory_space<vmem>>, vector<1x16xf32>,
    %get3A_216 = arith.constant 0 : i32
    %get3A_217 = arith.index_cast %get3A_216 : i32 to index
    %get3A_218 = arith.constant 80 : index
    %get3A_219 = tpu.vector_load %arg16[%get3A_217, %get3A_218] {strides = array<i32>} : memref<2x128xf32, #tpu.memory_space<vmem>>, vector<1x16xf32>,
    %get3A_220 = vector.shape_cast %get3A_219 : vector<1x16xf32> to vector<16xf32>
    %max3A_221 = arith.constant 1.000000e+00 : f32
    %max3A_222 = vector.broadcast %max3A_221 : f32 to vector<16xf32>
    %max3A_223 = arith.maximumf %get3A_220, %max3A_222 : vector<16xf32>
    %div3A_224 = arith.constant 1.000000e+00 : f32
    %div3A_225 = vector.broadcast %div3A_224 : f32 to vector<16xf32>
    %div3A_226 = arith.divf %div3A_225, %max3A_223 : vector<16xf32>
    %swap3A_227 = arith.constant 0 : i32
    %swap3A_228 = arith.index_cast %swap3A_227 : i32 to index
    %swap3A_229 = arith.constant 80 : index
    %swap3A_230 = tpu.vector_load %arg17[%swap3A_228, %swap3A_229] {strides = array<i32>} : memref<2x128xf32, #tpu.memory_space<vmem>>, vector<1x16xf32>,
    %swap3A_231 = vector.shape_cast %swap3A_230 : vector<1x16xf32> to vector<16xf32>
    %swap3A_232 = vector.shape_cast %div3A_226 : vector<16xf32> to vector<1x16xf32>
    tpu.vector_store %arg17[%swap3A_228, %swap3A_229], %swap3A_232 {strides = array<i32>} : memref<2x128xf32, #tpu.memory_space<vmem>>, vector<1x16xf32>,
    %get3A_233 = arith.constant 0 : i32
    %get3A_234 = arith.index_cast %get3A_233 : i32 to index
    %get3A_235 = arith.constant 96 : index
    %get3A_236 = tpu.vector_load %arg16[%get3A_234, %get3A_235] {strides = array<i32>} : memref<2x128xf32, #tpu.memory_space<vmem>>, vector<1x16xf32>,
    %get3A_237 = vector.shape_cast %get3A_236 : vector<1x16xf32> to vector<16xf32>
    %max3A_238 = arith.constant 1.000000e+00 : f32
    %max3A_239 = vector.broadcast %max3A_238 : f32 to vector<16xf32>
    %max3A_240 = arith.maximumf %get3A_237, %max3A_239 : vector<16xf32>
    %div3A_241 = arith.constant 1.000000e+00 : f32
    %div3A_242 = vector.broadcast %div3A_241 : f32 to vector<16xf32>
    %div3A_243 = arith.divf %div3A_242, %max3A_240 : vector<16xf32>
    %swap3A_244 = arith.constant 0 : i32
    %swap3A_245 = arith.index_cast %swap3A_244 : i32 to index
    %swap3A_246 = arith.constant 96 : index
    %swap3A_247 = tpu.vector_load %arg17[%swap3A_245, %swap3A_246] {strides = array<i32>} : memref<2x128xf32, #tpu.memory_space<vmem>>, vector<1x16xf32>,
    %swap3A_248 = vector.shape_cast %swap3A_247 : vector<1x16xf32> to vector<16xf32>
    %swap3A_249 = vector.shape_cast %div3A_243 : vector<16xf32> to vector<1x16xf32>
    tpu.vector_store %arg17[%swap3A_245, %swap3A_246], %swap3A_249 {strides = array<i32>} : memref<2x128xf32, #tpu.memory_space<vmem>>, vector<1x16xf32>,
    %get3A_250 = arith.constant 0 : i32
    %get3A_251 = arith.index_cast %get3A_250 : i32 to index
    %get3A_252 = arith.constant 112 : index
    %get3A_253 = tpu.vector_load %arg16[%get3A_251, %get3A_252] {strides = array<i32>} : memref<2x128xf32, #tpu.memory_space<vmem>>, vector<1x16xf32>,
    %get3A_254 = vector.shape_cast %get3A_253 : vector<1x16xf32> to vector<16xf32>
    %max3A_255 = arith.constant 1.000000e+00 : f32
    %max3A_256 = vector.broadcast %max3A_255 : f32 to vector<16xf32>
    %max3A_257 = arith.maximumf %get3A_254, %max3A_256 : vector<16xf32>
    %div3A_258 = arith.constant 1.000000e+00 : f32
    %div3A_259 = vector.broadcast %div3A_258 : f32 to vector<16xf32>
    %div3A_260 = arith.divf %div3A_259, %max3A_257 : vector<16xf32>
    %swap3A_261 = arith.constant 0 : i32
    %swap3A_262 = arith.index_cast %swap3A_261 : i32 to index
    %swap3A_263 = arith.constant 112 : index
    %swap3A_264 = tpu.vector_load %arg17[%swap3A_262, %swap3A_263] {strides = array<i32>} : memref<2x128xf32, #tpu.memory_space<vmem>>, vector<1x16xf32>,
    %swap3A_265 = vector.shape_cast %swap3A_264 : vector<1x16xf32> to vector<16xf32>
    %swap3A_266 = vector.shape_cast %div3A_260 : vector<16xf32> to vector<1x16xf32>
    tpu.vector_store %arg17[%swap3A_262, %swap3A_263], %swap3A_266 {strides = array<i32>} : memref<2x128xf32, #tpu.memory_space<vmem>>, vector<1x16xf32>,
    %get3A_267 = arith.constant 1 : i32
    %get3A_268 = arith.index_cast %get3A_267 : i32 to index
    %get3A_269 = arith.constant 0 : index
    %get3A_270 = tpu.vector_load %arg16[%get3A_268, %get3A_269] {strides = array<i32>} : memref<2x128xf32, #tpu.memory_space<vmem>>, vector<1x16xf32>,
    %get3A_271 = vector.shape_cast %get3A_270 : vector<1x16xf32> to vector<16xf32>
    %max3A_272 = arith.constant 1.000000e+00 : f32
    %max3A_273 = vector.broadcast %max3A_272 : f32 to vector<16xf32>
    %max3A_274 = arith.maximumf %get3A_271, %max3A_273 : vector<16xf32>
    %div3A_275 = arith.constant 1.000000e+00 : f32
    %div3A_276 = vector.broadcast %div3A_275 : f32 to vector<16xf32>
    %div3A_277 = arith.divf %div3A_276, %max3A_274 : vector<16xf32>
    %swap3A_278 = arith.constant 1 : i32
    %swap3A_279 = arith.index_cast %swap3A_278 : i32 to index
    %swap3A_280 = arith.constant 0 : index
    %swap3A_281 = tpu.vector_load %arg17[%swap3A_279, %swap3A_280] {strides = array<i32>} : memref<2x128xf32, #tpu.memory_space<vmem>>, vector<1x16xf32>,
    %swap3A_282 = vector.shape_cast %swap3A_281 : vector<1x16xf32> to vector<16xf32>
    %swap3A_283 = vector.shape_cast %div3A_277 : vector<16xf32> to vector<1x16xf32>
    tpu.vector_store %arg17[%swap3A_279, %swap3A_280], %swap3A_283 {strides = array<i32>} : memref<2x128xf32, #tpu.memory_space<vmem>>, vector<1x16xf32>,
    %get3A_284 = arith.constant 1 : i32
    %get3A_285 = arith.index_cast %get3A_284 : i32 to index
    %get3A_286 = arith.constant 16 : index
    %get3A_287 = tpu.vector_load %arg16[%get3A_285, %get3A_286] {strides = array<i32>} : memref<2x128xf32, #tpu.memory_space<vmem>>, vector<1x16xf32>,
    %get3A_288 = vector.shape_cast %get3A_287 : vector<1x16xf32> to vector<16xf32>
    %max3A_289 = arith.constant 1.000000e+00 : f32
    %max3A_290 = vector.broadcast %max3A_289 : f32 to vector<16xf32>
    %max3A_291 = arith.maximumf %get3A_288, %max3A_290 : vector<16xf32>
    %div3A_292 = arith.constant 1.000000e+00 : f32
    %div3A_293 = vector.broadcast %div3A_292 : f32 to vector<16xf32>
    %div3A_294 = arith.divf %div3A_293, %max3A_291 : vector<16xf32>
    %swap3A_295 = arith.constant 1 : i32
    %swap3A_296 = arith.index_cast %swap3A_295 : i32 to index
    %swap3A_297 = arith.constant 16 : index
    %swap3A_298 = tpu.vector_load %arg17[%swap3A_296, %swap3A_297] {strides = array<i32>} : memref<2x128xf32, #tpu.memory_space<vmem>>, vector<1x16xf32>,
    %swap3A_299 = vector.shape_cast %swap3A_298 : vector<1x16xf32> to vector<16xf32>
    %swap3A_300 = vector.shape_cast %div3A_294 : vector<16xf32> to vector<1x16xf32>
    tpu.vector_store %arg17[%swap3A_296, %swap3A_297], %swap3A_300 {strides = array<i32>} : memref<2x128xf32, #tpu.memory_space<vmem>>, vector<1x16xf32>,
    %get3A_301 = arith.constant 1 : i32
    %get3A_302 = arith.index_cast %get3A_301 : i32 to index
    %get3A_303 = arith.constant 32 : index
    %get3A_304 = tpu.vector_load %arg16[%get3A_302, %get3A_303] {strides = array<i32>} : memref<2x128xf32, #tpu.memory_space<vmem>>, vector<1x16xf32>,
    %get3A_305 = vector.shape_cast %get3A_304 : vector<1x16xf32> to vector<16xf32>
    %max3A_306 = arith.constant 1.000000e+00 : f32
    %max3A_307 = vector.broadcast %max3A_306 : f32 to vector<16xf32>
    %max3A_308 = arith.maximumf %get3A_305, %max3A_307 : vector<16xf32>
    %div3A_309 = arith.constant 1.000000e+00 : f32
    %div3A_310 = vector.broadcast %div3A_309 : f32 to vector<16xf32>
    %div3A_311 = arith.divf %div3A_310, %max3A_308 : vector<16xf32>
    %swap3A_312 = arith.constant 1 : i32
    %swap3A_313 = arith.index_cast %swap3A_312 : i32 to index
    %swap3A_314 = arith.constant 32 : index
    %swap3A_315 = tpu.vector_load %arg17[%swap3A_313, %swap3A_314] {strides = array<i32>} : memref<2x128xf32, #tpu.memory_space<vmem>>, vector<1x16xf32>,
    %swap3A_316 = vector.shape_cast %swap3A_315 : vector<1x16xf32> to vector<16xf32>
    %swap3A_317 = vector.shape_cast %div3A_311 : vector<16xf32> to vector<1x16xf32>
    tpu.vector_store %arg17[%swap3A_313, %swap3A_314], %swap3A_317 {strides = array<i32>} : memref<2x128xf32, #tpu.memory_space<vmem>>, vector<1x16xf32>,
    %get3A_318 = arith.constant 1 : i32
    %get3A_319 = arith.index_cast %get3A_318 : i32 to index
    %get3A_320 = arith.constant 48 : index
    %get3A_321 = tpu.vector_load %arg16[%get3A_319, %get3A_320] {strides = array<i32>} : memref<2x128xf32, #tpu.memory_space<vmem>>, vector<1x16xf32>,
    %get3A_322 = vector.shape_cast %get3A_321 : vector<1x16xf32> to vector<16xf32>
    %max3A_323 = arith.constant 1.000000e+00 : f32
    %max3A_324 = vector.broadcast %max3A_323 : f32 to vector<16xf32>
    %max3A_325 = arith.maximumf %get3A_322, %max3A_324 : vector<16xf32>
    %div3A_326 = arith.constant 1.000000e+00 : f32
    %div3A_327 = vector.broadcast %div3A_326 : f32 to vector<16xf32>
    %div3A_328 = arith.divf %div3A_327, %max3A_325 : vector<16xf32>
    %swap3A_329 = arith.constant 1 : i32
    %swap3A_330 = arith.index_cast %swap3A_329 : i32 to index
    %swap3A_331 = arith.constant 48 : index
    %swap3A_332 = tpu.vector_load %arg17[%swap3A_330, %swap3A_331] {strides = array<i32>} : memref<2x128xf32, #tpu.memory_space<vmem>>, vector<1x16xf32>,
    %swap3A_333 = vector.shape_cast %swap3A_332 : vector<1x16xf32> to vector<16xf32>
    %swap3A_334 = vector.shape_cast %div3A_328 : vector<16xf32> to vector<1x16xf32>
    tpu.vector_store %arg17[%swap3A_330, %swap3A_331], %swap3A_334 {strides = array<i32>} : memref<2x128xf32, #tpu.memory_space<vmem>>, vector<1x16xf32>,
    %get3A_335 = arith.constant 1 : i32
    %get3A_336 = arith.index_cast %get3A_335 : i32 to index
    %get3A_337 = arith.constant 64 : index
    %get3A_338 = tpu.vector_load %arg16[%get3A_336, %get3A_337] {strides = array<i32>} : memref<2x128xf32, #tpu.memory_space<vmem>>, vector<1x16xf32>,
    %get3A_339 = vector.shape_cast %get3A_338 : vector<1x16xf32> to vector<16xf32>
    %max3A_340 = arith.constant 1.000000e+00 : f32
    %max3A_341 = vector.broadcast %max3A_340 : f32 to vector<16xf32>
    %max3A_342 = arith.maximumf %get3A_339, %max3A_341 : vector<16xf32>
    %div3A_343 = arith.constant 1.000000e+00 : f32
    %div3A_344 = vector.broadcast %div3A_343 : f32 to vector<16xf32>
    %div3A_345 = arith.divf %div3A_344, %max3A_342 : vector<16xf32>
    %swap3A_346 = arith.constant 1 : i32
    %swap3A_347 = arith.index_cast %swap3A_346 : i32 to index
    %swap3A_348 = arith.constant 64 : index
    %swap3A_349 = tpu.vector_load %arg17[%swap3A_347, %swap3A_348] {strides = array<i32>} : memref<2x128xf32, #tpu.memory_space<vmem>>, vector<1x16xf32>,
    %swap3A_350 = vector.shape_cast %swap3A_349 : vector<1x16xf32> to vector<16xf32>
    %swap3A_351 = vector.shape_cast %div3A_345 : vector<16xf32> to vector<1x16xf32>
    tpu.vector_store %arg17[%swap3A_347, %swap3A_348], %swap3A_351 {strides = array<i32>} : memref<2x128xf32, #tpu.memory_space<vmem>>, vector<1x16xf32>,
    %get3A_352 = arith.constant 1 : i32
    %get3A_353 = arith.index_cast %get3A_352 : i32 to index
    %get3A_354 = arith.constant 80 : index
    %get3A_355 = tpu.vector_load %arg16[%get3A_353, %get3A_354] {strides = array<i32>} : memref<2x128xf32, #tpu.memory_space<vmem>>, vector<1x16xf32>,
    %get3A_356 = vector.shape_cast %get3A_355 : vector<1x16xf32> to vector<16xf32>
    %max3A_357 = arith.constant 1.000000e+00 : f32
    %max3A_358 = vector.broadcast %max3A_357 : f32 to vector<16xf32>
    %max3A_359 = arith.maximumf %get3A_356, %max3A_358 : vector<16xf32>
    %div3A_360 = arith.constant 1.000000e+00 : f32
    %div3A_361 = vector.broadcast %div3A_360 : f32 to vector<16xf32>
    %div3A_362 = arith.divf %div3A_361, %max3A_359 : vector<16xf32>
    %swap3A_363 = arith.constant 1 : i32
    %swap3A_364 = arith.index_cast %swap3A_363 : i32 to index
    %swap3A_365 = arith.constant 80 : index
    %swap3A_366 = tpu.vector_load %arg17[%swap3A_364, %swap3A_365] {strides = array<i32>} : memref<2x128xf32, #tpu.memory_space<vmem>>, vector<1x16xf32>,
    %swap3A_367 = vector.shape_cast %swap3A_366 : vector<1x16xf32> to vector<16xf32>
    %swap3A_368 = vector.shape_cast %div3A_362 : vector<16xf32> to vector<1x16xf32>
    tpu.vector_store %arg17[%swap3A_364, %swap3A_365], %swap3A_368 {strides = array<i32>} : memref<2x128xf32, #tpu.memory_space<vmem>>, vector<1x16xf32>,
    %get3A_369 = arith.constant 1 : i32
    %get3A_370 = arith.index_cast %get3A_369 : i32 to index
    %get3A_371 = arith.constant 96 : index
    %get3A_372 = tpu.vector_load %arg16[%get3A_370, %get3A_371] {strides = array<i32>} : memref<2x128xf32, #tpu.memory_space<vmem>>, vector<1x16xf32>,
    %get3A_373 = vector.shape_cast %get3A_372 : vector<1x16xf32> to vector<16xf32>
    %max3A_374 = arith.constant 1.000000e+00 : f32
    %max3A_375 = vector.broadcast %max3A_374 : f32 to vector<16xf32>
    %max3A_376 = arith.maximumf %get3A_373, %max3A_375 : vector<16xf32>
    %div3A_377 = arith.constant 1.000000e+00 : f32
    %div3A_378 = vector.broadcast %div3A_377 : f32 to vector<16xf32>
    %div3A_379 = arith.divf %div3A_378, %max3A_376 : vector<16xf32>
    %swap3A_380 = arith.constant 1 : i32
    %swap3A_381 = arith.index_cast %swap3A_380 : i32 to index
    %swap3A_382 = arith.constant 96 : index
    %swap3A_383 = tpu.vector_load %arg17[%swap3A_381, %swap3A_382] {strides = array<i32>} : memref<2x128xf32, #tpu.memory_space<vmem>>, vector<1x16xf32>,
    %swap3A_384 = vector.shape_cast %swap3A_383 : vector<1x16xf32> to vector<16xf32>
    %swap3A_385 = vector.shape_cast %div3A_379 : vector<16xf32> to vector<1x16xf32>
    tpu.vector_store %arg17[%swap3A_381, %swap3A_382], %swap3A_385 {strides = array<i32>} : memref<2x128xf32, #tpu.memory_space<vmem>>, vector<1x16xf32>,
    %get3A_386 = arith.constant 1 : i32
    %get3A_387 = arith.index_cast %get3A_386 : i32 to index
    %get3A_388 = arith.constant 112 : index
    %get3A_389 = tpu.vector_load %arg16[%get3A_387, %get3A_388] {strides = array<i32>} : memref<2x128xf32, #tpu.memory_space<vmem>>, vector<1x16xf32>,
    %get3A_390 = vector.shape_cast %get3A_389 : vector<1x16xf32> to vector<16xf32>
    %max3A_391 = arith.constant 1.000000e+00 : f32
    %max3A_392 = vector.broadcast %max3A_391 : f32 to vector<16xf32>
    %max3A_393 = arith.maximumf %get3A_390, %max3A_392 : vector<16xf32>
    %div3A_394 = arith.constant 1.000000e+00 : f32
    %div3A_395 = vector.broadcast %div3A_394 : f32 to vector<16xf32>
    %div3A_396 = arith.divf %div3A_395, %max3A_393 : vector<16xf32>
    %swap3A_397 = arith.constant 1 : i32
    %swap3A_398 = arith.index_cast %swap3A_397 : i32 to index
    %swap3A_399 = arith.constant 112 : index
    %swap3A_400 = tpu.vector_load %arg17[%swap3A_398, %swap3A_399] {strides = array<i32>} : memref<2x128xf32, #tpu.memory_space<vmem>>, vector<1x16xf32>,
    %swap3A_401 = vector.shape_cast %swap3A_400 : vector<1x16xf32> to vector<16xf32>
    %swap3A_402 = vector.shape_cast %div3A_396 : vector<16xf32> to vector<1x16xf32>
    tpu.vector_store %arg17[%swap3A_398, %swap3A_399], %swap3A_402 {strides = array<i32>} : memref<2x128xf32, #tpu.memory_space<vmem>>, vector<1x16xf32>,
    %add3A_403 = arith.constant 0 : i32
    %add3A_404 = arith.addi %mul3A_30, %add3A_403 : i32
    %run_scoped3A_405 = arith.constant 0 : i32
    "tpu.region"() ({
      %run_scoped3A_433 = tpu.sem_alloc : memref<!tpu.dma_semaphore, #tpu.memory_space<semaphore_mem>>
      %dma_start3A_434 = arith.constant 0 : i32
      %dma_start3A_435 = tpu.memref_slice %arg17[%run_scoped3A_405, %dma_start3A_434] : memref<2x128xf32, #tpu.memory_space<vmem>> -> memref<1x128xf32, #tpu.memory_space<vmem>>
      %dma_start3A_436 = tpu.memref_squeeze %dma_start3A_435 : memref<1x128xf32, #tpu.memory_space<vmem>> -> memref<128xf32, #tpu.memory_space<vmem>>
      %dma_start3A_437 = tpu.memref_slice %arg9[%add3A_404] : memref<8192xf32, #tpu.memory_space<hbm>> -> memref<128xf32, #tpu.memory_space<hbm>>
      %dma_start3A_438 = tpu.memref_slice %arg9[%add3A_404] : memref<8192xf32, #tpu.memory_space<hbm>> -> memref<128xf32, #tpu.memory_space<hbm>>
      %dma_start3A_439 = arith.constant 0 : i32
      %dma_start3A_440 = tpu.memref_slice %arg17[%run_scoped3A_405, %dma_start3A_439] : memref<2x128xf32, #tpu.memory_space<vmem>> -> memref<1x128xf32, #tpu.memory_space<vmem>>
      %dma_start3A_441 = tpu.memref_squeeze %dma_start3A_440 : memref<1x128xf32, #tpu.memory_space<vmem>> -> memref<128xf32, #tpu.memory_space<vmem>>
      tpu.enqueue_dma source(%dma_start3A_441 : memref<128xf32, #tpu.memory_space<vmem>>) target(%dma_start3A_438 : memref<128xf32, #tpu.memory_space<hbm>>) target_semaphore(%run_scoped3A_433 : memref<!tpu.dma_semaphore, #tpu.memory_space<semaphore_mem>>)
      %dma_wait3A_442 = arith.constant 0 : i32
      %dma_wait3A_443 = tpu.memref_slice %arg17[%run_scoped3A_405, %dma_wait3A_442] : memref<2x128xf32, #tpu.memory_space<vmem>> -> memref<1x128xf32, #tpu.memory_space<vmem>>
      %dma_wait3A_444 = tpu.memref_squeeze %dma_wait3A_443 : memref<1x128xf32, #tpu.memory_space<vmem>> -> memref<128xf32, #tpu.memory_space<vmem>>
      %dma_wait3A_445 = tpu.memref_slice %arg9[%add3A_404] : memref<8192xf32, #tpu.memory_space<hbm>> -> memref<128xf32, #tpu.memory_space<hbm>>
      %dma_wait3A_446 = tpu.memref_slice %arg9[%add3A_404] : memref<8192xf32, #tpu.memory_space<hbm>> -> memref<128xf32, #tpu.memory_space<hbm>>
      %dma_wait3A_447 = arith.constant 0 : i32
      %dma_wait3A_448 = tpu.memref_slice %arg17[%run_scoped3A_405, %dma_wait3A_447] : memref<2x128xf32, #tpu.memory_space<vmem>> -> memref<1x128xf32, #tpu.memory_space<vmem>>
      %dma_wait3A_449 = tpu.memref_squeeze %dma_wait3A_448 : memref<1x128xf32, #tpu.memory_space<vmem>> -> memref<128xf32, #tpu.memory_space<vmem>>
      tpu.wait_dma2 semaphore(%run_scoped3A_433 : memref<!tpu.dma_semaphore, #tpu.memory_space<semaphore_mem>>) src(%dma_wait3A_449 : memref<128xf32, #tpu.memory_space<vmem>>) dst(%dma_wait3A_446 : memref<128xf32, #tpu.memory_space<hbm>>)
      tpu.yield
    }) : () -> ()
    %add3A_406 = arith.constant 0 : i32
    %add3A_407 = arith.addi %mul3A_30, %add3A_406 : i32
    %run_scoped3A_408 = arith.constant 0 : i32
    "tpu.region"() ({
      %run_scoped3A_433 = tpu.sem_alloc : memref<!tpu.dma_semaphore, #tpu.memory_space<semaphore_mem>>
      %dma_start3A_434 = arith.constant 0 : i32
      %dma_start3A_435 = tpu.memref_slice %arg18[%run_scoped3A_408, %dma_start3A_434] : memref<2x128xi32, #tpu.memory_space<vmem>> -> memref<1x128xi32, #tpu.memory_space<vmem>>
      %dma_start3A_436 = tpu.memref_squeeze %dma_start3A_435 : memref<1x128xi32, #tpu.memory_space<vmem>> -> memref<128xi32, #tpu.memory_space<vmem>>
      %dma_start3A_437 = tpu.memref_slice %arg10[%add3A_407] : memref<8192xi32, #tpu.memory_space<hbm>> -> memref<128xi32, #tpu.memory_space<hbm>>
      %dma_start3A_438 = tpu.memref_slice %arg10[%add3A_407] : memref<8192xi32, #tpu.memory_space<hbm>> -> memref<128xi32, #tpu.memory_space<hbm>>
      %dma_start3A_439 = arith.constant 0 : i32
      %dma_start3A_440 = tpu.memref_slice %arg18[%run_scoped3A_408, %dma_start3A_439] : memref<2x128xi32, #tpu.memory_space<vmem>> -> memref<1x128xi32, #tpu.memory_space<vmem>>
      %dma_start3A_441 = tpu.memref_squeeze %dma_start3A_440 : memref<1x128xi32, #tpu.memory_space<vmem>> -> memref<128xi32, #tpu.memory_space<vmem>>
      tpu.enqueue_dma source(%dma_start3A_441 : memref<128xi32, #tpu.memory_space<vmem>>) target(%dma_start3A_438 : memref<128xi32, #tpu.memory_space<hbm>>) target_semaphore(%run_scoped3A_433 : memref<!tpu.dma_semaphore, #tpu.memory_space<semaphore_mem>>)
      %dma_wait3A_442 = arith.constant 0 : i32
      %dma_wait3A_443 = tpu.memref_slice %arg18[%run_scoped3A_408, %dma_wait3A_442] : memref<2x128xi32, #tpu.memory_space<vmem>> -> memref<1x128xi32, #tpu.memory_space<vmem>>
      %dma_wait3A_444 = tpu.memref_squeeze %dma_wait3A_443 : memref<1x128xi32, #tpu.memory_space<vmem>> -> memref<128xi32, #tpu.memory_space<vmem>>
      %dma_wait3A_445 = tpu.memref_slice %arg10[%add3A_407] : memref<8192xi32, #tpu.memory_space<hbm>> -> memref<128xi32, #tpu.memory_space<hbm>>
      %dma_wait3A_446 = tpu.memref_slice %arg10[%add3A_407] : memref<8192xi32, #tpu.memory_space<hbm>> -> memref<128xi32, #tpu.memory_space<hbm>>
      %dma_wait3A_447 = arith.constant 0 : i32
      %dma_wait3A_448 = tpu.memref_slice %arg18[%run_scoped3A_408, %dma_wait3A_447] : memref<2x128xi32, #tpu.memory_space<vmem>> -> memref<1x128xi32, #tpu.memory_space<vmem>>
      %dma_wait3A_449 = tpu.memref_squeeze %dma_wait3A_448 : memref<1x128xi32, #tpu.memory_space<vmem>> -> memref<128xi32, #tpu.memory_space<vmem>>
      tpu.wait_dma2 semaphore(%run_scoped3A_433 : memref<!tpu.dma_semaphore, #tpu.memory_space<semaphore_mem>>) src(%dma_wait3A_449 : memref<128xi32, #tpu.memory_space<vmem>>) dst(%dma_wait3A_446 : memref<128xi32, #tpu.memory_space<hbm>>)
      tpu.yield
    }) : () -> ()
    %add3A_409 = arith.constant 128 : i32
    %add3A_410 = arith.addi %mul3A_30, %add3A_409 : i32
    %run_scoped3A_411 = arith.constant 1 : i32
    "tpu.region"() ({
      %run_scoped3A_433 = tpu.sem_alloc : memref<!tpu.dma_semaphore, #tpu.memory_space<semaphore_mem>>
      %dma_start3A_434 = arith.constant 0 : i32
      %dma_start3A_435 = tpu.memref_slice %arg17[%run_scoped3A_411, %dma_start3A_434] : memref<2x128xf32, #tpu.memory_space<vmem>> -> memref<1x128xf32, #tpu.memory_space<vmem>>
      %dma_start3A_436 = tpu.memref_squeeze %dma_start3A_435 : memref<1x128xf32, #tpu.memory_space<vmem>> -> memref<128xf32, #tpu.memory_space<vmem>>
      %dma_start3A_437 = tpu.memref_slice %arg9[%add3A_410] : memref<8192xf32, #tpu.memory_space<hbm>> -> memref<128xf32, #tpu.memory_space<hbm>>
      %dma_start3A_438 = tpu.memref_slice %arg9[%add3A_410] : memref<8192xf32, #tpu.memory_space<hbm>> -> memref<128xf32, #tpu.memory_space<hbm>>
      %dma_start3A_439 = arith.constant 0 : i32
      %dma_start3A_440 = tpu.memref_slice %arg17[%run_scoped3A_411, %dma_start3A_439] : memref<2x128xf32, #tpu.memory_space<vmem>> -> memref<1x128xf32, #tpu.memory_space<vmem>>
      %dma_start3A_441 = tpu.memref_squeeze %dma_start3A_440 : memref<1x128xf32, #tpu.memory_space<vmem>> -> memref<128xf32, #tpu.memory_space<vmem>>
      tpu.enqueue_dma source(%dma_start3A_441 : memref<128xf32, #tpu.memory_space<vmem>>) target(%dma_start3A_438 : memref<128xf32, #tpu.memory_space<hbm>>) target_semaphore(%run_scoped3A_433 : memref<!tpu.dma_semaphore, #tpu.memory_space<semaphore_mem>>)
      %dma_wait3A_442 = arith.constant 0 : i32
      %dma_wait3A_443 = tpu.memref_slice %arg17[%run_scoped3A_411, %dma_wait3A_442] : memref<2x128xf32, #tpu.memory_space<vmem>> -> memref<1x128xf32, #tpu.memory_space<vmem>>
      %dma_wait3A_444 = tpu.memref_squeeze %dma_wait3A_443 : memref<1x128xf32, #tpu.memory_space<vmem>> -> memref<128xf32, #tpu.memory_space<vmem>>
      %dma_wait3A_445 = tpu.memref_slice %arg9[%add3A_410] : memref<8192xf32, #tpu.memory_space<hbm>> -> memref<128xf32, #tpu.memory_space<hbm>>
      %dma_wait3A_446 = tpu.memref_slice %arg9[%add3A_410] : memref<8192xf32, #tpu.memory_space<hbm>> -> memref<128xf32, #tpu.memory_space<hbm>>
      %dma_wait3A_447 = arith.constant 0 : i32
      %dma_wait3A_448 = tpu.memref_slice %arg17[%run_scoped3A_411, %dma_wait3A_447] : memref<2x128xf32, #tpu.memory_space<vmem>> -> memref<1x128xf32, #tpu.memory_space<vmem>>
      %dma_wait3A_449 = tpu.memref_squeeze %dma_wait3A_448 : memref<1x128xf32, #tpu.memory_space<vmem>> -> memref<128xf32, #tpu.memory_space<vmem>>
      tpu.wait_dma2 semaphore(%run_scoped3A_433 : memref<!tpu.dma_semaphore, #tpu.memory_space<semaphore_mem>>) src(%dma_wait3A_449 : memref<128xf32, #tpu.memory_space<vmem>>) dst(%dma_wait3A_446 : memref<128xf32, #tpu.memory_space<hbm>>)
      tpu.yield
    }) : () -> ()
    %add3A_412 = arith.constant 128 : i32
    %add3A_413 = arith.addi %mul3A_30, %add3A_412 : i32
    %run_scoped3A_414 = arith.constant 1 : i32
    "tpu.region"() ({
      %run_scoped3A_433 = tpu.sem_alloc : memref<!tpu.dma_semaphore, #tpu.memory_space<semaphore_mem>>
      %dma_start3A_434 = arith.constant 0 : i32
      %dma_start3A_435 = tpu.memref_slice %arg18[%run_scoped3A_414, %dma_start3A_434] : memref<2x128xi32, #tpu.memory_space<vmem>> -> memref<1x128xi32, #tpu.memory_space<vmem>>
      %dma_start3A_436 = tpu.memref_squeeze %dma_start3A_435 : memref<1x128xi32, #tpu.memory_space<vmem>> -> memref<128xi32, #tpu.memory_space<vmem>>
      %dma_start3A_437 = tpu.memref_slice %arg10[%add3A_413] : memref<8192xi32, #tpu.memory_space<hbm>> -> memref<128xi32, #tpu.memory_space<hbm>>
      %dma_start3A_438 = tpu.memref_slice %arg10[%add3A_413] : memref<8192xi32, #tpu.memory_space<hbm>> -> memref<128xi32, #tpu.memory_space<hbm>>
      %dma_start3A_439 = arith.constant 0 : i32
      %dma_start3A_440 = tpu.memref_slice %arg18[%run_scoped3A_414, %dma_start3A_439] : memref<2x128xi32, #tpu.memory_space<vmem>> -> memref<1x128xi32, #tpu.memory_space<vmem>>
      %dma_start3A_441 = tpu.memref_squeeze %dma_start3A_440 : memref<1x128xi32, #tpu.memory_space<vmem>> -> memref<128xi32, #tpu.memory_space<vmem>>
      tpu.enqueue_dma source(%dma_start3A_441 : memref<128xi32, #tpu.memory_space<vmem>>) target(%dma_start3A_438 : memref<128xi32, #tpu.memory_space<hbm>>) target_semaphore(%run_scoped3A_433 : memref<!tpu.dma_semaphore, #tpu.memory_space<semaphore_mem>>)
      %dma_wait3A_442 = arith.constant 0 : i32
      %dma_wait3A_443 = tpu.memref_slice %arg18[%run_scoped3A_414, %dma_wait3A_442] : memref<2x128xi32, #tpu.memory_space<vmem>> -> memref<1x128xi32, #tpu.memory_space<vmem>>
      %dma_wait3A_444 = tpu.memref_squeeze %dma_wait3A_443 : memref<1x128xi32, #tpu.memory_space<vmem>> -> memref<128xi32, #tpu.memory_space<vmem>>
      %dma_wait3A_445 = tpu.memref_slice %arg10[%add3A_413] : memref<8192xi32, #tpu.memory_space<hbm>> -> memref<128xi32, #tpu.memory_space<hbm>>
      %dma_wait3A_446 = tpu.memref_slice %arg10[%add3A_413] : memref<8192xi32, #tpu.memory_space<hbm>> -> memref<128xi32, #tpu.memory_space<hbm>>
      %dma_wait3A_447 = arith.constant 0 : i32
      %dma_wait3A_448 = tpu.memref_slice %arg18[%run_scoped3A_414, %dma_wait3A_447] : memref<2x128xi32, #tpu.memory_space<vmem>> -> memref<1x128xi32, #tpu.memory_space<vmem>>
      %dma_wait3A_449 = tpu.memref_squeeze %dma_wait3A_448 : memref<1x128xi32, #tpu.memory_space<vmem>> -> memref<128xi32, #tpu.memory_space<vmem>>
      tpu.wait_dma2 semaphore(%run_scoped3A_433 : memref<!tpu.dma_semaphore, #tpu.memory_space<semaphore_mem>>) src(%dma_wait3A_449 : memref<128xi32, #tpu.memory_space<vmem>>) dst(%dma_wait3A_446 : memref<128xi32, #tpu.memory_space<hbm>>)
      tpu.yield
    }) : () -> ()
    %dma_wait3A_415 = arith.constant 0 : i32
    %dma_wait3A_416 = arith.constant 0 : i32
    %dma_wait3A_417 = tpu.memref_slice %arg15[%dma_wait3A_415, %dma_wait3A_416] : memref<2x128xi32, #tpu.memory_space<vmem>> -> memref<1x128xi32, #tpu.memory_space<vmem>>
    %dma_wait3A_418 = tpu.memref_squeeze %dma_wait3A_417 : memref<1x128xi32, #tpu.memory_space<vmem>> -> memref<128xi32, #tpu.memory_space<vmem>>
    %dma_wait3A_419 = arith.constant 0 : i32
    %dma_wait3A_420 = arith.constant 0 : i32
    %dma_wait3A_421 = tpu.memref_slice %arg2[%dma_wait3A_419, %dma_wait3A_420] : memref<10000x128xf32, #tpu.memory_space<hbm>> -> memref<10000x128xf32, #tpu.memory_space<hbm>>
    tpu.wait_indirect_dma semaphore(%arg22 : memref<!tpu.dma_semaphore, #tpu.memory_space<semaphore_mem>>) src(%dma_wait3A_421 : memref<10000x128xf32, #tpu.memory_space<hbm>>) dst(%arg19 : memref<128x128xf32, #tpu.memory_space<vmem>>)
    %dma_wait3A_422 = arith.constant 1 : i32
    %dma_wait3A_423 = arith.constant 0 : i32
    %dma_wait3A_424 = tpu.memref_slice %arg15[%dma_wait3A_422, %dma_wait3A_423] : memref<2x128xi32, #tpu.memory_space<vmem>> -> memref<1x128xi32, #tpu.memory_space<vmem>>
    %dma_wait3A_425 = tpu.memref_squeeze %dma_wait3A_424 : memref<1x128xi32, #tpu.memory_space<vmem>> -> memref<128xi32, #tpu.memory_space<vmem>>
    %dma_wait3A_426 = arith.constant 0 : i32
    %dma_wait3A_427 = arith.constant 0 : i32
    %dma_wait3A_428 = tpu.memref_slice %arg2[%dma_wait3A_426, %dma_wait3A_427] : memref<10000x128xf32, #tpu.memory_space<hbm>> -> memref<10000x128xf32, #tpu.memory_space<hbm>>
    tpu.wait_indirect_dma semaphore(%arg22 : memref<!tpu.dma_semaphore, #tpu.memory_space<semaphore_mem>>) src(%dma_wait3A_428 : memref<10000x128xf32, #tpu.memory_space<hbm>>) dst(%arg20 : memref<128x128xf32, #tpu.memory_space<vmem>>)
    %add3A_429 = arith.constant 0 : i32
    %add3A_430 = arith.addi %mul3A_30, %add3A_429 : i32
    "tpu.region"() ({
      %run_scoped3A_433 = tpu.sem_alloc : memref<!tpu.dma_semaphore, #tpu.memory_space<semaphore_mem>>
      %dma_start3A_434 = arith.constant 0 : i32
      %dma_start3A_435 = tpu.memref_slice %arg8[%add3A_430, %dma_start3A_434] : memref<8192x128xf32, #tpu.memory_space<hbm>> -> memref<128x128xf32, #tpu.memory_space<hbm>>
      %dma_start3A_436 = arith.constant 0 : i32
      %dma_start3A_437 = tpu.memref_slice %arg8[%add3A_430, %dma_start3A_436] : memref<8192x128xf32, #tpu.memory_space<hbm>> -> memref<128x128xf32, #tpu.memory_space<hbm>>
      tpu.enqueue_dma source(%arg19 : memref<128x128xf32, #tpu.memory_space<vmem>>) target(%dma_start3A_437 : memref<128x128xf32, #tpu.memory_space<hbm>>) target_semaphore(%run_scoped3A_433 : memref<!tpu.dma_semaphore, #tpu.memory_space<semaphore_mem>>)
      %dma_wait3A_438 = arith.constant 0 : i32
      %dma_wait3A_439 = tpu.memref_slice %arg8[%add3A_430, %dma_wait3A_438] : memref<8192x128xf32, #tpu.memory_space<hbm>> -> memref<128x128xf32, #tpu.memory_space<hbm>>
      %dma_wait3A_440 = arith.constant 0 : i32
      %dma_wait3A_441 = tpu.memref_slice %arg8[%add3A_430, %dma_wait3A_440] : memref<8192x128xf32, #tpu.memory_space<hbm>> -> memref<128x128xf32, #tpu.memory_space<hbm>>
      tpu.wait_dma2 semaphore(%run_scoped3A_433 : memref<!tpu.dma_semaphore, #tpu.memory_space<semaphore_mem>>) src(%arg19 : memref<128x128xf32, #tpu.memory_space<vmem>>) dst(%dma_wait3A_441 : memref<128x128xf32, #tpu.memory_space<hbm>>)
      tpu.yield
    }) : () -> ()
    %add3A_431 = arith.constant 128 : i32
    %add3A_432 = arith.addi %mul3A_30, %add3A_431 : i32
    "tpu.region"() ({
      %run_scoped3A_433 = tpu.sem_alloc : memref<!tpu.dma_semaphore, #tpu.memory_space<semaphore_mem>>
      %dma_start3A_434 = arith.constant 0 : i32
      %dma_start3A_435 = tpu.memref_slice %arg8[%add3A_432, %dma_start3A_434] : memref<8192x128xf32, #tpu.memory_space<hbm>> -> memref<128x128xf32, #tpu.memory_space<hbm>>
      %dma_start3A_436 = arith.constant 0 : i32
      %dma_start3A_437 = tpu.memref_slice %arg8[%add3A_432, %dma_start3A_436] : memref<8192x128xf32, #tpu.memory_space<hbm>> -> memref<128x128xf32, #tpu.memory_space<hbm>>
      tpu.enqueue_dma source(%arg20 : memref<128x128xf32, #tpu.memory_space<vmem>>) target(%dma_start3A_437 : memref<128x128xf32, #tpu.memory_space<hbm>>) target_semaphore(%run_scoped3A_433 : memref<!tpu.dma_semaphore, #tpu.memory_space<semaphore_mem>>)
      %dma_wait3A_438 = arith.constant 0 : i32
      %dma_wait3A_439 = tpu.memref_slice %arg8[%add3A_432, %dma_wait3A_438] : memref<8192x128xf32, #tpu.memory_space<hbm>> -> memref<128x128xf32, #tpu.memory_space<hbm>>
      %dma_wait3A_440 = arith.constant 0 : i32
      %dma_wait3A_441 = tpu.memref_slice %arg8[%add3A_432, %dma_wait3A_440] : memref<8192x128xf32, #tpu.memory_space<hbm>> -> memref<128x128xf32, #tpu.memory_space<hbm>>
      tpu.wait_dma2 semaphore(%run_scoped3A_433 : memref<!tpu.dma_semaphore, #tpu.memory_space<semaphore_mem>>) src(%arg20 : memref<128x128xf32, #tpu.memory_space<vmem>>) dst(%dma_wait3A_441 : memref<128x128xf32, #tpu.memory_space<hbm>>)
      tpu.yield
    }) : () -> ()
    return
  }
}

module attributes {stable_mosaic.version = 14 : i64} {
  func.func @_main_body(%arg0: i32, %arg1: memref<2048x16xf32, #tpu.memory_space<vmem>>, %arg2: memref<16x128xf32, #tpu.memory_space<vmem>>, %arg3: memref<1x128xf32, #tpu.memory_space<vmem>>, %arg4: memref<128x256xf32, #tpu.memory_space<vmem>>, %arg5: memref<1x256xf32, #tpu.memory_space<vmem>>, %arg6: memref<256x128xf32, #tpu.memory_space<vmem>>, %arg7: memref<1x128xf32, #tpu.memory_space<vmem>>, %arg8: memref<2048x128xf32, #tpu.memory_space<vmem>>, %arg9: memref<1x2048xf32, #tpu.memory_space<vmem>>, %arg10: memref<2048x1xi32, #tpu.memory_space<vmem>>, %arg11: memref<128x16384xbf16, #tpu.memory_space<vmem>>, %arg12: memref<128x128xbf16, #tpu.memory_space<vmem>>, %arg13: memref<64x128xf32, #tpu.memory_space<vmem>>, %arg14: memref<128x64xf32, #tpu.memory_space<vmem>>) attributes {dimension_semantics = [#tpu.dimension_semantics<arbitrary>], iteration_bounds = array<i64: 4>, scalar_prefetch = 0 : i64, scratch_operands = 1 : i64, tpu.core_type = #tpu.core_type<tc>, window_params = [{transform_indices = @transform_0, window_bounds = array<i64: 2048, 16>}, {pipeline_mode = #tpu.pipeline_mode<synchronous>, transform_indices = @transform_1, window_bounds = array<i64: 16, 128>}, {pipeline_mode = #tpu.pipeline_mode<synchronous>, transform_indices = @transform_2, window_bounds = array<i64: 1, 128>}, {pipeline_mode = #tpu.pipeline_mode<synchronous>, transform_indices = @transform_3, window_bounds = array<i64: 128, 256>}, {pipeline_mode = #tpu.pipeline_mode<synchronous>, transform_indices = @transform_4, window_bounds = array<i64: 1, 256>}, {pipeline_mode = #tpu.pipeline_mode<synchronous>, transform_indices = @transform_5, window_bounds = array<i64: 256, 128>}, {pipeline_mode = #tpu.pipeline_mode<synchronous>, transform_indices = @transform_6, window_bounds = array<i64: 1, 128>}, {transform_indices = @transform_7, window_bounds = array<i64: 2048, 128>}, {transform_indices = @transform_8, window_bounds = array<i64: 1, 2048>}, {transform_indices = @transform_9, window_bounds = array<i64: 2048, 1>}, {pipeline_mode = #tpu.pipeline_mode<synchronous>, transform_indices = @transform_10, window_bounds = array<i64: 128, 16384>}, {pipeline_mode = #tpu.pipeline_mode<synchronous>, transform_indices = @transform_11, window_bounds = array<i64: 128, 128>}, {pipeline_mode = #tpu.pipeline_mode<synchronous>, transform_indices = @transform_12, window_bounds = array<i64: 64, 128>}]} {
    %get3A = arith.constant 0 : index
    %get3A_0 = arith.constant 0 : index
    %get3A_1 = vector.load %arg1[%get3A, %get3A_0] : memref<2048x16xf32, #tpu.memory_space<vmem>>, vector<2048x16xf32>
    %get3A_2 = arith.constant 0 : index
    %get3A_3 = arith.constant 0 : index
    %get3A_4 = vector.load %arg2[%get3A_2, %get3A_3] : memref<16x128xf32, #tpu.memory_space<vmem>>, vector<16x128xf32>
    %dot_general3A = arith.constant dense<0.000000e+00> : vector<2048x128xf32>
    %dot_general3A_5 = tpu.matmul %get3A_1, %get3A_4, %dot_general3A {dimension_numbers = #tpu.dot_dimension_numbers<[1], [0], [0], [1], [0, 0, 1, 1], [], []>, transpose_lhs_hint = false} : vector<2048x16xf32>, vector<16x128xf32>, vector<2048x128xf32> -> vector<2048x128xf32>
    %get3A_6 = arith.constant 0 : index
    %get3A_7 = arith.constant 0 : index
    %get3A_8 = vector.load %arg3[%get3A_6, %get3A_7] : memref<1x128xf32, #tpu.memory_space<vmem>>, vector<1x128xf32>
    %add3A = vector.broadcast %get3A_8 : vector<1x128xf32> to vector<2048x128xf32>
    %add3A_9 = arith.addf %dot_general3A_5, %add3A : vector<2048x128xf32>
    %max3A = arith.constant 0.000000e+00 : f32
    %max3A_10 = vector.broadcast %max3A : f32 to vector<2048x128xf32>
    %max3A_11 = arith.maximumf %add3A_9, %max3A_10 : vector<2048x128xf32>
    %get3A_12 = arith.constant 0 : index
    %get3A_13 = arith.constant 0 : index
    %get3A_14 = vector.load %arg4[%get3A_12, %get3A_13] : memref<128x256xf32, #tpu.memory_space<vmem>>, vector<128x256xf32>
    %dot_general3A_15 = arith.constant dense<0.000000e+00> : vector<2048x256xf32>
    %dot_general3A_16 = tpu.matmul %max3A_11, %get3A_14, %dot_general3A_15 {dimension_numbers = #tpu.dot_dimension_numbers<[1], [0], [0], [1], [0, 0, 1, 1], [], []>, transpose_lhs_hint = false} : vector<2048x128xf32>, vector<128x256xf32>, vector<2048x256xf32> -> vector<2048x256xf32>
    %get3A_17 = arith.constant 0 : index
    %get3A_18 = arith.constant 0 : index
    %get3A_19 = vector.load %arg5[%get3A_17, %get3A_18] : memref<1x256xf32, #tpu.memory_space<vmem>>, vector<1x256xf32>
    %add3A_20 = vector.broadcast %get3A_19 : vector<1x256xf32> to vector<2048x256xf32>
    %add3A_21 = arith.addf %dot_general3A_16, %add3A_20 : vector<2048x256xf32>
    %max3A_22 = arith.constant 0.000000e+00 : f32
    %max3A_23 = vector.broadcast %max3A_22 : f32 to vector<2048x256xf32>
    %max3A_24 = arith.maximumf %add3A_21, %max3A_23 : vector<2048x256xf32>
    %get3A_25 = arith.constant 0 : index
    %get3A_26 = arith.constant 0 : index
    %get3A_27 = vector.load %arg6[%get3A_25, %get3A_26] : memref<256x128xf32, #tpu.memory_space<vmem>>, vector<256x128xf32>
    %dot_general3A_28 = arith.constant dense<0.000000e+00> : vector<2048x128xf32>
    %dot_general3A_29 = tpu.matmul %max3A_24, %get3A_27, %dot_general3A_28 {dimension_numbers = #tpu.dot_dimension_numbers<[1], [0], [0], [1], [0, 0, 1, 1], [], []>, transpose_lhs_hint = false} : vector<2048x256xf32>, vector<256x128xf32>, vector<2048x128xf32> -> vector<2048x128xf32>
    %get3A_30 = arith.constant 0 : index
    %get3A_31 = arith.constant 0 : index
    %get3A_32 = vector.load %arg7[%get3A_30, %get3A_31] : memref<1x128xf32, #tpu.memory_space<vmem>>, vector<1x128xf32>
    %add3A_33 = vector.broadcast %get3A_32 : vector<1x128xf32> to vector<2048x128xf32>
    %add3A_34 = arith.addf %dot_general3A_29, %add3A_33 : vector<2048x128xf32>
    %max3A_35 = arith.constant 0.000000e+00 : f32
    %max3A_36 = vector.broadcast %max3A_35 : f32 to vector<2048x128xf32>
    %max3A_37 = arith.maximumf %add3A_34, %max3A_36 : vector<2048x128xf32>
    %get3A_38 = arith.constant 0 : index
    %get3A_39 = arith.constant 0 : index
    %get3A_40 = vector.load %arg9[%get3A_38, %get3A_39] : memref<1x2048xf32, #tpu.memory_space<vmem>>, vector<1x2048xf32>
    %get3A_41 = arith.constant 0 : index
    %get3A_42 = arith.constant 0 : index
    %get3A_43 = vector.load %arg8[%get3A_41, %get3A_42] : memref<2048x128xf32, #tpu.memory_space<vmem>>, vector<2048x128xf32>
    %transpose3A = tpu.transpose %get3A_43, [1, 0] : vector<2048x128xf32> -> vector<128x2048xf32>
    %mul3A = vector.broadcast %get3A_40 : vector<1x2048xf32> to vector<128x2048xf32>
    %mul3A_44 = arith.mulf %transpose3A, %mul3A : vector<128x2048xf32>
    %convert_element_type3A = arith.truncf %mul3A_44 : vector<128x2048xf32> to vector<128x2048xbf16>
    %transpose3A_45 = tpu.transpose %max3A_37, [1, 0] : vector<2048x128xf32> -> vector<128x2048xf32>
    %convert_element_type3A_46 = arith.truncf %transpose3A_45 : vector<128x2048xf32> to vector<128x2048xbf16>
    %get3A_47 = arith.constant 0 : index
    %get3A_48 = arith.constant 0 : index
    %get3A_49 = vector.load %arg12[%get3A_47, %get3A_48] : memref<128x128xbf16, #tpu.memory_space<vmem>>, vector<128x128xbf16>
    %dot_general3A_50 = arith.constant dense<0.000000e+00> : vector<128x2048xf32>
    %dot_general3A_51 = tpu.matmul %get3A_49, %convert_element_type3A, %dot_general3A_50 {dimension_numbers = #tpu.dot_dimension_numbers<[1], [0], [0], [1], [0, 0, 1, 1], [], []>, transpose_lhs_hint = false} : vector<128x128xbf16>, vector<128x2048xbf16>, vector<128x2048xf32> -> vector<128x2048xf32>
    %slice3A = vector.extract_strided_slice %convert_element_type3A_46 {offsets = [0, 0], sizes = [1, 2048], strides = [1, 1]} : vector<128x2048xbf16> to vector<1x2048xbf16>
    %mul3A_52 = vector.broadcast %slice3A : vector<1x2048xbf16> to vector<128x2048xbf16>
    %mul3A_53 = arith.mulf %mul3A_52, %convert_element_type3A : vector<128x2048xbf16>
    %slice3A_54 = vector.extract_strided_slice %convert_element_type3A_46 {offsets = [1, 0], sizes = [1, 2048], strides = [1, 1]} : vector<128x2048xbf16> to vector<1x2048xbf16>
    %mul3A_55 = vector.broadcast %slice3A_54 : vector<1x2048xbf16> to vector<128x2048xbf16>
    %mul3A_56 = arith.mulf %mul3A_55, %convert_element_type3A : vector<128x2048xbf16>
    %slice3A_57 = vector.extract_strided_slice %convert_element_type3A_46 {offsets = [2, 0], sizes = [1, 2048], strides = [1, 1]} : vector<128x2048xbf16> to vector<1x2048xbf16>
    %mul3A_58 = vector.broadcast %slice3A_57 : vector<1x2048xbf16> to vector<128x2048xbf16>
    %mul3A_59 = arith.mulf %mul3A_58, %convert_element_type3A : vector<128x2048xbf16>
    %slice3A_60 = vector.extract_strided_slice %convert_element_type3A_46 {offsets = [3, 0], sizes = [1, 2048], strides = [1, 1]} : vector<128x2048xbf16> to vector<1x2048xbf16>
    %mul3A_61 = vector.broadcast %slice3A_60 : vector<1x2048xbf16> to vector<128x2048xbf16>
    %mul3A_62 = arith.mulf %mul3A_61, %convert_element_type3A : vector<128x2048xbf16>
    %slice3A_63 = vector.extract_strided_slice %convert_element_type3A_46 {offsets = [4, 0], sizes = [1, 2048], strides = [1, 1]} : vector<128x2048xbf16> to vector<1x2048xbf16>
    %mul3A_64 = vector.broadcast %slice3A_63 : vector<1x2048xbf16> to vector<128x2048xbf16>
    %mul3A_65 = arith.mulf %mul3A_64, %convert_element_type3A : vector<128x2048xbf16>
    %slice3A_66 = vector.extract_strided_slice %convert_element_type3A_46 {offsets = [5, 0], sizes = [1, 2048], strides = [1, 1]} : vector<128x2048xbf16> to vector<1x2048xbf16>
    %mul3A_67 = vector.broadcast %slice3A_66 : vector<1x2048xbf16> to vector<128x2048xbf16>
    %mul3A_68 = arith.mulf %mul3A_67, %convert_element_type3A : vector<128x2048xbf16>
    %slice3A_69 = vector.extract_strided_slice %convert_element_type3A_46 {offsets = [6, 0], sizes = [1, 2048], strides = [1, 1]} : vector<128x2048xbf16> to vector<1x2048xbf16>
    %mul3A_70 = vector.broadcast %slice3A_69 : vector<1x2048xbf16> to vector<128x2048xbf16>
    %mul3A_71 = arith.mulf %mul3A_70, %convert_element_type3A : vector<128x2048xbf16>
    %slice3A_72 = vector.extract_strided_slice %convert_element_type3A_46 {offsets = [7, 0], sizes = [1, 2048], strides = [1, 1]} : vector<128x2048xbf16> to vector<1x2048xbf16>
    %mul3A_73 = vector.broadcast %slice3A_72 : vector<1x2048xbf16> to vector<128x2048xbf16>
    %mul3A_74 = arith.mulf %mul3A_73, %convert_element_type3A : vector<128x2048xbf16>
    %slice3A_75 = vector.extract_strided_slice %convert_element_type3A_46 {offsets = [8, 0], sizes = [1, 2048], strides = [1, 1]} : vector<128x2048xbf16> to vector<1x2048xbf16>
    %mul3A_76 = vector.broadcast %slice3A_75 : vector<1x2048xbf16> to vector<128x2048xbf16>
    %mul3A_77 = arith.mulf %mul3A_76, %convert_element_type3A : vector<128x2048xbf16>
    %slice3A_78 = vector.extract_strided_slice %convert_element_type3A_46 {offsets = [9, 0], sizes = [1, 2048], strides = [1, 1]} : vector<128x2048xbf16> to vector<1x2048xbf16>
    %mul3A_79 = vector.broadcast %slice3A_78 : vector<1x2048xbf16> to vector<128x2048xbf16>
    %mul3A_80 = arith.mulf %mul3A_79, %convert_element_type3A : vector<128x2048xbf16>
    %slice3A_81 = vector.extract_strided_slice %convert_element_type3A_46 {offsets = [10, 0], sizes = [1, 2048], strides = [1, 1]} : vector<128x2048xbf16> to vector<1x2048xbf16>
    %mul3A_82 = vector.broadcast %slice3A_81 : vector<1x2048xbf16> to vector<128x2048xbf16>
    %mul3A_83 = arith.mulf %mul3A_82, %convert_element_type3A : vector<128x2048xbf16>
    %slice3A_84 = vector.extract_strided_slice %convert_element_type3A_46 {offsets = [11, 0], sizes = [1, 2048], strides = [1, 1]} : vector<128x2048xbf16> to vector<1x2048xbf16>
    %mul3A_85 = vector.broadcast %slice3A_84 : vector<1x2048xbf16> to vector<128x2048xbf16>
    %mul3A_86 = arith.mulf %mul3A_85, %convert_element_type3A : vector<128x2048xbf16>
    %slice3A_87 = vector.extract_strided_slice %convert_element_type3A_46 {offsets = [12, 0], sizes = [1, 2048], strides = [1, 1]} : vector<128x2048xbf16> to vector<1x2048xbf16>
    %mul3A_88 = vector.broadcast %slice3A_87 : vector<1x2048xbf16> to vector<128x2048xbf16>
    %mul3A_89 = arith.mulf %mul3A_88, %convert_element_type3A : vector<128x2048xbf16>
    %slice3A_90 = vector.extract_strided_slice %convert_element_type3A_46 {offsets = [13, 0], sizes = [1, 2048], strides = [1, 1]} : vector<128x2048xbf16> to vector<1x2048xbf16>
    %mul3A_91 = vector.broadcast %slice3A_90 : vector<1x2048xbf16> to vector<128x2048xbf16>
    %mul3A_92 = arith.mulf %mul3A_91, %convert_element_type3A : vector<128x2048xbf16>
    %slice3A_93 = vector.extract_strided_slice %convert_element_type3A_46 {offsets = [14, 0], sizes = [1, 2048], strides = [1, 1]} : vector<128x2048xbf16> to vector<1x2048xbf16>
    %mul3A_94 = vector.broadcast %slice3A_93 : vector<1x2048xbf16> to vector<128x2048xbf16>
    %mul3A_95 = arith.mulf %mul3A_94, %convert_element_type3A : vector<128x2048xbf16>
    %slice3A_96 = vector.extract_strided_slice %convert_element_type3A_46 {offsets = [15, 0], sizes = [1, 2048], strides = [1, 1]} : vector<128x2048xbf16> to vector<1x2048xbf16>
    %mul3A_97 = vector.broadcast %slice3A_96 : vector<1x2048xbf16> to vector<128x2048xbf16>
    %mul3A_98 = arith.mulf %mul3A_97, %convert_element_type3A : vector<128x2048xbf16>
    %concatenate3A = tpu.concatenate %mul3A_53, %mul3A_56, %mul3A_59, %mul3A_62, %mul3A_65, %mul3A_68, %mul3A_71, %mul3A_74, %mul3A_77, %mul3A_80, %mul3A_83, %mul3A_86, %mul3A_89, %mul3A_92, %mul3A_95, %mul3A_98 in 0 : vector<128x2048xbf16>, vector<128x2048xbf16>, vector<128x2048xbf16>, vector<128x2048xbf16>, vector<128x2048xbf16>, vector<128x2048xbf16>, vector<128x2048xbf16>, vector<128x2048xbf16>, vector<128x2048xbf16>, vector<128x2048xbf16>, vector<128x2048xbf16>, vector<128x2048xbf16>, vector<128x2048xbf16>, vector<128x2048xbf16>, vector<128x2048xbf16>, vector<128x2048xbf16> -> vector<2048x2048xbf16>
    %get3A_99 = arith.constant 0 : index
    %get3A_100 = arith.constant 0 : index
    %get3A_101 = vector.load %arg11[%get3A_99, %get3A_100] : memref<128x16384xbf16, #tpu.memory_space<vmem>>, vector<128x2048xbf16>
    %dot_general3A_102 = arith.constant dense<0.000000e+00> : vector<128x2048xf32>
    %dot_general3A_103 = tpu.matmul %get3A_101, %concatenate3A, %dot_general3A_102 {dimension_numbers = #tpu.dot_dimension_numbers<[1], [0], [0], [1], [0, 0, 1, 1], [], []>, transpose_lhs_hint = false} : vector<128x2048xbf16>, vector<2048x2048xbf16>, vector<128x2048xf32> -> vector<128x2048xf32>
    %add3A_104 = arith.addf %dot_general3A_51, %dot_general3A_103 : vector<128x2048xf32>
    %slice3A_105 = vector.extract_strided_slice %convert_element_type3A_46 {offsets = [16, 0], sizes = [1, 2048], strides = [1, 1]} : vector<128x2048xbf16> to vector<1x2048xbf16>
    %mul3A_106 = vector.broadcast %slice3A_105 : vector<1x2048xbf16> to vector<128x2048xbf16>
    %mul3A_107 = arith.mulf %mul3A_106, %convert_element_type3A : vector<128x2048xbf16>
    %slice3A_108 = vector.extract_strided_slice %convert_element_type3A_46 {offsets = [17, 0], sizes = [1, 2048], strides = [1, 1]} : vector<128x2048xbf16> to vector<1x2048xbf16>
    %mul3A_109 = vector.broadcast %slice3A_108 : vector<1x2048xbf16> to vector<128x2048xbf16>
    %mul3A_110 = arith.mulf %mul3A_109, %convert_element_type3A : vector<128x2048xbf16>
    %slice3A_111 = vector.extract_strided_slice %convert_element_type3A_46 {offsets = [18, 0], sizes = [1, 2048], strides = [1, 1]} : vector<128x2048xbf16> to vector<1x2048xbf16>
    %mul3A_112 = vector.broadcast %slice3A_111 : vector<1x2048xbf16> to vector<128x2048xbf16>
    %mul3A_113 = arith.mulf %mul3A_112, %convert_element_type3A : vector<128x2048xbf16>
    %slice3A_114 = vector.extract_strided_slice %convert_element_type3A_46 {offsets = [19, 0], sizes = [1, 2048], strides = [1, 1]} : vector<128x2048xbf16> to vector<1x2048xbf16>
    %mul3A_115 = vector.broadcast %slice3A_114 : vector<1x2048xbf16> to vector<128x2048xbf16>
    %mul3A_116 = arith.mulf %mul3A_115, %convert_element_type3A : vector<128x2048xbf16>
    %slice3A_117 = vector.extract_strided_slice %convert_element_type3A_46 {offsets = [20, 0], sizes = [1, 2048], strides = [1, 1]} : vector<128x2048xbf16> to vector<1x2048xbf16>
    %mul3A_118 = vector.broadcast %slice3A_117 : vector<1x2048xbf16> to vector<128x2048xbf16>
    %mul3A_119 = arith.mulf %mul3A_118, %convert_element_type3A : vector<128x2048xbf16>
    %slice3A_120 = vector.extract_strided_slice %convert_element_type3A_46 {offsets = [21, 0], sizes = [1, 2048], strides = [1, 1]} : vector<128x2048xbf16> to vector<1x2048xbf16>
    %mul3A_121 = vector.broadcast %slice3A_120 : vector<1x2048xbf16> to vector<128x2048xbf16>
    %mul3A_122 = arith.mulf %mul3A_121, %convert_element_type3A : vector<128x2048xbf16>
    %slice3A_123 = vector.extract_strided_slice %convert_element_type3A_46 {offsets = [22, 0], sizes = [1, 2048], strides = [1, 1]} : vector<128x2048xbf16> to vector<1x2048xbf16>
    %mul3A_124 = vector.broadcast %slice3A_123 : vector<1x2048xbf16> to vector<128x2048xbf16>
    %mul3A_125 = arith.mulf %mul3A_124, %convert_element_type3A : vector<128x2048xbf16>
    %slice3A_126 = vector.extract_strided_slice %convert_element_type3A_46 {offsets = [23, 0], sizes = [1, 2048], strides = [1, 1]} : vector<128x2048xbf16> to vector<1x2048xbf16>
    %mul3A_127 = vector.broadcast %slice3A_126 : vector<1x2048xbf16> to vector<128x2048xbf16>
    %mul3A_128 = arith.mulf %mul3A_127, %convert_element_type3A : vector<128x2048xbf16>
    %slice3A_129 = vector.extract_strided_slice %convert_element_type3A_46 {offsets = [24, 0], sizes = [1, 2048], strides = [1, 1]} : vector<128x2048xbf16> to vector<1x2048xbf16>
    %mul3A_130 = vector.broadcast %slice3A_129 : vector<1x2048xbf16> to vector<128x2048xbf16>
    %mul3A_131 = arith.mulf %mul3A_130, %convert_element_type3A : vector<128x2048xbf16>
    %slice3A_132 = vector.extract_strided_slice %convert_element_type3A_46 {offsets = [25, 0], sizes = [1, 2048], strides = [1, 1]} : vector<128x2048xbf16> to vector<1x2048xbf16>
    %mul3A_133 = vector.broadcast %slice3A_132 : vector<1x2048xbf16> to vector<128x2048xbf16>
    %mul3A_134 = arith.mulf %mul3A_133, %convert_element_type3A : vector<128x2048xbf16>
    %slice3A_135 = vector.extract_strided_slice %convert_element_type3A_46 {offsets = [26, 0], sizes = [1, 2048], strides = [1, 1]} : vector<128x2048xbf16> to vector<1x2048xbf16>
    %mul3A_136 = vector.broadcast %slice3A_135 : vector<1x2048xbf16> to vector<128x2048xbf16>
    %mul3A_137 = arith.mulf %mul3A_136, %convert_element_type3A : vector<128x2048xbf16>
    %slice3A_138 = vector.extract_strided_slice %convert_element_type3A_46 {offsets = [27, 0], sizes = [1, 2048], strides = [1, 1]} : vector<128x2048xbf16> to vector<1x2048xbf16>
    %mul3A_139 = vector.broadcast %slice3A_138 : vector<1x2048xbf16> to vector<128x2048xbf16>
    %mul3A_140 = arith.mulf %mul3A_139, %convert_element_type3A : vector<128x2048xbf16>
    %slice3A_141 = vector.extract_strided_slice %convert_element_type3A_46 {offsets = [28, 0], sizes = [1, 2048], strides = [1, 1]} : vector<128x2048xbf16> to vector<1x2048xbf16>
    %mul3A_142 = vector.broadcast %slice3A_141 : vector<1x2048xbf16> to vector<128x2048xbf16>
    %mul3A_143 = arith.mulf %mul3A_142, %convert_element_type3A : vector<128x2048xbf16>
    %slice3A_144 = vector.extract_strided_slice %convert_element_type3A_46 {offsets = [29, 0], sizes = [1, 2048], strides = [1, 1]} : vector<128x2048xbf16> to vector<1x2048xbf16>
    %mul3A_145 = vector.broadcast %slice3A_144 : vector<1x2048xbf16> to vector<128x2048xbf16>
    %mul3A_146 = arith.mulf %mul3A_145, %convert_element_type3A : vector<128x2048xbf16>
    %slice3A_147 = vector.extract_strided_slice %convert_element_type3A_46 {offsets = [30, 0], sizes = [1, 2048], strides = [1, 1]} : vector<128x2048xbf16> to vector<1x2048xbf16>
    %mul3A_148 = vector.broadcast %slice3A_147 : vector<1x2048xbf16> to vector<128x2048xbf16>
    %mul3A_149 = arith.mulf %mul3A_148, %convert_element_type3A : vector<128x2048xbf16>
    %slice3A_150 = vector.extract_strided_slice %convert_element_type3A_46 {offsets = [31, 0], sizes = [1, 2048], strides = [1, 1]} : vector<128x2048xbf16> to vector<1x2048xbf16>
    %mul3A_151 = vector.broadcast %slice3A_150 : vector<1x2048xbf16> to vector<128x2048xbf16>
    %mul3A_152 = arith.mulf %mul3A_151, %convert_element_type3A : vector<128x2048xbf16>
    %concatenate3A_153 = tpu.concatenate %mul3A_107, %mul3A_110, %mul3A_113, %mul3A_116, %mul3A_119, %mul3A_122, %mul3A_125, %mul3A_128, %mul3A_131, %mul3A_134, %mul3A_137, %mul3A_140, %mul3A_143, %mul3A_146, %mul3A_149, %mul3A_152 in 0 : vector<128x2048xbf16>, vector<128x2048xbf16>, vector<128x2048xbf16>, vector<128x2048xbf16>, vector<128x2048xbf16>, vector<128x2048xbf16>, vector<128x2048xbf16>, vector<128x2048xbf16>, vector<128x2048xbf16>, vector<128x2048xbf16>, vector<128x2048xbf16>, vector<128x2048xbf16>, vector<128x2048xbf16>, vector<128x2048xbf16>, vector<128x2048xbf16>, vector<128x2048xbf16> -> vector<2048x2048xbf16>
    %get3A_154 = arith.constant 0 : index
    %get3A_155 = arith.constant 2048 : index
    %get3A_156 = vector.load %arg11[%get3A_154, %get3A_155] : memref<128x16384xbf16, #tpu.memory_space<vmem>>, vector<128x2048xbf16>
    %dot_general3A_157 = arith.constant dense<0.000000e+00> : vector<128x2048xf32>
    %dot_general3A_158 = tpu.matmul %get3A_156, %concatenate3A_153, %dot_general3A_157 {dimension_numbers = #tpu.dot_dimension_numbers<[1], [0], [0], [1], [0, 0, 1, 1], [], []>, transpose_lhs_hint = false} : vector<128x2048xbf16>, vector<2048x2048xbf16>, vector<128x2048xf32> -> vector<128x2048xf32>
    %add3A_159 = arith.addf %add3A_104, %dot_general3A_158 : vector<128x2048xf32>
    %slice3A_160 = vector.extract_strided_slice %convert_element_type3A_46 {offsets = [32, 0], sizes = [1, 2048], strides = [1, 1]} : vector<128x2048xbf16> to vector<1x2048xbf16>
    %mul3A_161 = vector.broadcast %slice3A_160 : vector<1x2048xbf16> to vector<128x2048xbf16>
    %mul3A_162 = arith.mulf %mul3A_161, %convert_element_type3A : vector<128x2048xbf16>
    %slice3A_163 = vector.extract_strided_slice %convert_element_type3A_46 {offsets = [33, 0], sizes = [1, 2048], strides = [1, 1]} : vector<128x2048xbf16> to vector<1x2048xbf16>
    %mul3A_164 = vector.broadcast %slice3A_163 : vector<1x2048xbf16> to vector<128x2048xbf16>
    %mul3A_165 = arith.mulf %mul3A_164, %convert_element_type3A : vector<128x2048xbf16>
    %slice3A_166 = vector.extract_strided_slice %convert_element_type3A_46 {offsets = [34, 0], sizes = [1, 2048], strides = [1, 1]} : vector<128x2048xbf16> to vector<1x2048xbf16>
    %mul3A_167 = vector.broadcast %slice3A_166 : vector<1x2048xbf16> to vector<128x2048xbf16>
    %mul3A_168 = arith.mulf %mul3A_167, %convert_element_type3A : vector<128x2048xbf16>
    %slice3A_169 = vector.extract_strided_slice %convert_element_type3A_46 {offsets = [35, 0], sizes = [1, 2048], strides = [1, 1]} : vector<128x2048xbf16> to vector<1x2048xbf16>
    %mul3A_170 = vector.broadcast %slice3A_169 : vector<1x2048xbf16> to vector<128x2048xbf16>
    %mul3A_171 = arith.mulf %mul3A_170, %convert_element_type3A : vector<128x2048xbf16>
    %slice3A_172 = vector.extract_strided_slice %convert_element_type3A_46 {offsets = [36, 0], sizes = [1, 2048], strides = [1, 1]} : vector<128x2048xbf16> to vector<1x2048xbf16>
    %mul3A_173 = vector.broadcast %slice3A_172 : vector<1x2048xbf16> to vector<128x2048xbf16>
    %mul3A_174 = arith.mulf %mul3A_173, %convert_element_type3A : vector<128x2048xbf16>
    %slice3A_175 = vector.extract_strided_slice %convert_element_type3A_46 {offsets = [37, 0], sizes = [1, 2048], strides = [1, 1]} : vector<128x2048xbf16> to vector<1x2048xbf16>
    %mul3A_176 = vector.broadcast %slice3A_175 : vector<1x2048xbf16> to vector<128x2048xbf16>
    %mul3A_177 = arith.mulf %mul3A_176, %convert_element_type3A : vector<128x2048xbf16>
    %slice3A_178 = vector.extract_strided_slice %convert_element_type3A_46 {offsets = [38, 0], sizes = [1, 2048], strides = [1, 1]} : vector<128x2048xbf16> to vector<1x2048xbf16>
    %mul3A_179 = vector.broadcast %slice3A_178 : vector<1x2048xbf16> to vector<128x2048xbf16>
    %mul3A_180 = arith.mulf %mul3A_179, %convert_element_type3A : vector<128x2048xbf16>
    %slice3A_181 = vector.extract_strided_slice %convert_element_type3A_46 {offsets = [39, 0], sizes = [1, 2048], strides = [1, 1]} : vector<128x2048xbf16> to vector<1x2048xbf16>
    %mul3A_182 = vector.broadcast %slice3A_181 : vector<1x2048xbf16> to vector<128x2048xbf16>
    %mul3A_183 = arith.mulf %mul3A_182, %convert_element_type3A : vector<128x2048xbf16>
    %slice3A_184 = vector.extract_strided_slice %convert_element_type3A_46 {offsets = [40, 0], sizes = [1, 2048], strides = [1, 1]} : vector<128x2048xbf16> to vector<1x2048xbf16>
    %mul3A_185 = vector.broadcast %slice3A_184 : vector<1x2048xbf16> to vector<128x2048xbf16>
    %mul3A_186 = arith.mulf %mul3A_185, %convert_element_type3A : vector<128x2048xbf16>
    %slice3A_187 = vector.extract_strided_slice %convert_element_type3A_46 {offsets = [41, 0], sizes = [1, 2048], strides = [1, 1]} : vector<128x2048xbf16> to vector<1x2048xbf16>
    %mul3A_188 = vector.broadcast %slice3A_187 : vector<1x2048xbf16> to vector<128x2048xbf16>
    %mul3A_189 = arith.mulf %mul3A_188, %convert_element_type3A : vector<128x2048xbf16>
    %slice3A_190 = vector.extract_strided_slice %convert_element_type3A_46 {offsets = [42, 0], sizes = [1, 2048], strides = [1, 1]} : vector<128x2048xbf16> to vector<1x2048xbf16>
    %mul3A_191 = vector.broadcast %slice3A_190 : vector<1x2048xbf16> to vector<128x2048xbf16>
    %mul3A_192 = arith.mulf %mul3A_191, %convert_element_type3A : vector<128x2048xbf16>
    %slice3A_193 = vector.extract_strided_slice %convert_element_type3A_46 {offsets = [43, 0], sizes = [1, 2048], strides = [1, 1]} : vector<128x2048xbf16> to vector<1x2048xbf16>
    %mul3A_194 = vector.broadcast %slice3A_193 : vector<1x2048xbf16> to vector<128x2048xbf16>
    %mul3A_195 = arith.mulf %mul3A_194, %convert_element_type3A : vector<128x2048xbf16>
    %slice3A_196 = vector.extract_strided_slice %convert_element_type3A_46 {offsets = [44, 0], sizes = [1, 2048], strides = [1, 1]} : vector<128x2048xbf16> to vector<1x2048xbf16>
    %mul3A_197 = vector.broadcast %slice3A_196 : vector<1x2048xbf16> to vector<128x2048xbf16>
    %mul3A_198 = arith.mulf %mul3A_197, %convert_element_type3A : vector<128x2048xbf16>
    %slice3A_199 = vector.extract_strided_slice %convert_element_type3A_46 {offsets = [45, 0], sizes = [1, 2048], strides = [1, 1]} : vector<128x2048xbf16> to vector<1x2048xbf16>
    %mul3A_200 = vector.broadcast %slice3A_199 : vector<1x2048xbf16> to vector<128x2048xbf16>
    %mul3A_201 = arith.mulf %mul3A_200, %convert_element_type3A : vector<128x2048xbf16>
    %slice3A_202 = vector.extract_strided_slice %convert_element_type3A_46 {offsets = [46, 0], sizes = [1, 2048], strides = [1, 1]} : vector<128x2048xbf16> to vector<1x2048xbf16>
    %mul3A_203 = vector.broadcast %slice3A_202 : vector<1x2048xbf16> to vector<128x2048xbf16>
    %mul3A_204 = arith.mulf %mul3A_203, %convert_element_type3A : vector<128x2048xbf16>
    %slice3A_205 = vector.extract_strided_slice %convert_element_type3A_46 {offsets = [47, 0], sizes = [1, 2048], strides = [1, 1]} : vector<128x2048xbf16> to vector<1x2048xbf16>
    %mul3A_206 = vector.broadcast %slice3A_205 : vector<1x2048xbf16> to vector<128x2048xbf16>
    %mul3A_207 = arith.mulf %mul3A_206, %convert_element_type3A : vector<128x2048xbf16>
    %concatenate3A_208 = tpu.concatenate %mul3A_162, %mul3A_165, %mul3A_168, %mul3A_171, %mul3A_174, %mul3A_177, %mul3A_180, %mul3A_183, %mul3A_186, %mul3A_189, %mul3A_192, %mul3A_195, %mul3A_198, %mul3A_201, %mul3A_204, %mul3A_207 in 0 : vector<128x2048xbf16>, vector<128x2048xbf16>, vector<128x2048xbf16>, vector<128x2048xbf16>, vector<128x2048xbf16>, vector<128x2048xbf16>, vector<128x2048xbf16>, vector<128x2048xbf16>, vector<128x2048xbf16>, vector<128x2048xbf16>, vector<128x2048xbf16>, vector<128x2048xbf16>, vector<128x2048xbf16>, vector<128x2048xbf16>, vector<128x2048xbf16>, vector<128x2048xbf16> -> vector<2048x2048xbf16>
    %get3A_209 = arith.constant 0 : index
    %get3A_210 = arith.constant 4096 : index
    %get3A_211 = vector.load %arg11[%get3A_209, %get3A_210] : memref<128x16384xbf16, #tpu.memory_space<vmem>>, vector<128x2048xbf16>
    %dot_general3A_212 = arith.constant dense<0.000000e+00> : vector<128x2048xf32>
    %dot_general3A_213 = tpu.matmul %get3A_211, %concatenate3A_208, %dot_general3A_212 {dimension_numbers = #tpu.dot_dimension_numbers<[1], [0], [0], [1], [0, 0, 1, 1], [], []>, transpose_lhs_hint = false} : vector<128x2048xbf16>, vector<2048x2048xbf16>, vector<128x2048xf32> -> vector<128x2048xf32>
    %add3A_214 = arith.addf %add3A_159, %dot_general3A_213 : vector<128x2048xf32>
    %slice3A_215 = vector.extract_strided_slice %convert_element_type3A_46 {offsets = [48, 0], sizes = [1, 2048], strides = [1, 1]} : vector<128x2048xbf16> to vector<1x2048xbf16>
    %mul3A_216 = vector.broadcast %slice3A_215 : vector<1x2048xbf16> to vector<128x2048xbf16>
    %mul3A_217 = arith.mulf %mul3A_216, %convert_element_type3A : vector<128x2048xbf16>
    %slice3A_218 = vector.extract_strided_slice %convert_element_type3A_46 {offsets = [49, 0], sizes = [1, 2048], strides = [1, 1]} : vector<128x2048xbf16> to vector<1x2048xbf16>
    %mul3A_219 = vector.broadcast %slice3A_218 : vector<1x2048xbf16> to vector<128x2048xbf16>
    %mul3A_220 = arith.mulf %mul3A_219, %convert_element_type3A : vector<128x2048xbf16>
    %slice3A_221 = vector.extract_strided_slice %convert_element_type3A_46 {offsets = [50, 0], sizes = [1, 2048], strides = [1, 1]} : vector<128x2048xbf16> to vector<1x2048xbf16>
    %mul3A_222 = vector.broadcast %slice3A_221 : vector<1x2048xbf16> to vector<128x2048xbf16>
    %mul3A_223 = arith.mulf %mul3A_222, %convert_element_type3A : vector<128x2048xbf16>
    %slice3A_224 = vector.extract_strided_slice %convert_element_type3A_46 {offsets = [51, 0], sizes = [1, 2048], strides = [1, 1]} : vector<128x2048xbf16> to vector<1x2048xbf16>
    %mul3A_225 = vector.broadcast %slice3A_224 : vector<1x2048xbf16> to vector<128x2048xbf16>
    %mul3A_226 = arith.mulf %mul3A_225, %convert_element_type3A : vector<128x2048xbf16>
    %slice3A_227 = vector.extract_strided_slice %convert_element_type3A_46 {offsets = [52, 0], sizes = [1, 2048], strides = [1, 1]} : vector<128x2048xbf16> to vector<1x2048xbf16>
    %mul3A_228 = vector.broadcast %slice3A_227 : vector<1x2048xbf16> to vector<128x2048xbf16>
    %mul3A_229 = arith.mulf %mul3A_228, %convert_element_type3A : vector<128x2048xbf16>
    %slice3A_230 = vector.extract_strided_slice %convert_element_type3A_46 {offsets = [53, 0], sizes = [1, 2048], strides = [1, 1]} : vector<128x2048xbf16> to vector<1x2048xbf16>
    %mul3A_231 = vector.broadcast %slice3A_230 : vector<1x2048xbf16> to vector<128x2048xbf16>
    %mul3A_232 = arith.mulf %mul3A_231, %convert_element_type3A : vector<128x2048xbf16>
    %slice3A_233 = vector.extract_strided_slice %convert_element_type3A_46 {offsets = [54, 0], sizes = [1, 2048], strides = [1, 1]} : vector<128x2048xbf16> to vector<1x2048xbf16>
    %mul3A_234 = vector.broadcast %slice3A_233 : vector<1x2048xbf16> to vector<128x2048xbf16>
    %mul3A_235 = arith.mulf %mul3A_234, %convert_element_type3A : vector<128x2048xbf16>
    %slice3A_236 = vector.extract_strided_slice %convert_element_type3A_46 {offsets = [55, 0], sizes = [1, 2048], strides = [1, 1]} : vector<128x2048xbf16> to vector<1x2048xbf16>
    %mul3A_237 = vector.broadcast %slice3A_236 : vector<1x2048xbf16> to vector<128x2048xbf16>
    %mul3A_238 = arith.mulf %mul3A_237, %convert_element_type3A : vector<128x2048xbf16>
    %slice3A_239 = vector.extract_strided_slice %convert_element_type3A_46 {offsets = [56, 0], sizes = [1, 2048], strides = [1, 1]} : vector<128x2048xbf16> to vector<1x2048xbf16>
    %mul3A_240 = vector.broadcast %slice3A_239 : vector<1x2048xbf16> to vector<128x2048xbf16>
    %mul3A_241 = arith.mulf %mul3A_240, %convert_element_type3A : vector<128x2048xbf16>
    %slice3A_242 = vector.extract_strided_slice %convert_element_type3A_46 {offsets = [57, 0], sizes = [1, 2048], strides = [1, 1]} : vector<128x2048xbf16> to vector<1x2048xbf16>
    %mul3A_243 = vector.broadcast %slice3A_242 : vector<1x2048xbf16> to vector<128x2048xbf16>
    %mul3A_244 = arith.mulf %mul3A_243, %convert_element_type3A : vector<128x2048xbf16>
    %slice3A_245 = vector.extract_strided_slice %convert_element_type3A_46 {offsets = [58, 0], sizes = [1, 2048], strides = [1, 1]} : vector<128x2048xbf16> to vector<1x2048xbf16>
    %mul3A_246 = vector.broadcast %slice3A_245 : vector<1x2048xbf16> to vector<128x2048xbf16>
    %mul3A_247 = arith.mulf %mul3A_246, %convert_element_type3A : vector<128x2048xbf16>
    %slice3A_248 = vector.extract_strided_slice %convert_element_type3A_46 {offsets = [59, 0], sizes = [1, 2048], strides = [1, 1]} : vector<128x2048xbf16> to vector<1x2048xbf16>
    %mul3A_249 = vector.broadcast %slice3A_248 : vector<1x2048xbf16> to vector<128x2048xbf16>
    %mul3A_250 = arith.mulf %mul3A_249, %convert_element_type3A : vector<128x2048xbf16>
    %slice3A_251 = vector.extract_strided_slice %convert_element_type3A_46 {offsets = [60, 0], sizes = [1, 2048], strides = [1, 1]} : vector<128x2048xbf16> to vector<1x2048xbf16>
    %mul3A_252 = vector.broadcast %slice3A_251 : vector<1x2048xbf16> to vector<128x2048xbf16>
    %mul3A_253 = arith.mulf %mul3A_252, %convert_element_type3A : vector<128x2048xbf16>
    %slice3A_254 = vector.extract_strided_slice %convert_element_type3A_46 {offsets = [61, 0], sizes = [1, 2048], strides = [1, 1]} : vector<128x2048xbf16> to vector<1x2048xbf16>
    %mul3A_255 = vector.broadcast %slice3A_254 : vector<1x2048xbf16> to vector<128x2048xbf16>
    %mul3A_256 = arith.mulf %mul3A_255, %convert_element_type3A : vector<128x2048xbf16>
    %slice3A_257 = vector.extract_strided_slice %convert_element_type3A_46 {offsets = [62, 0], sizes = [1, 2048], strides = [1, 1]} : vector<128x2048xbf16> to vector<1x2048xbf16>
    %mul3A_258 = vector.broadcast %slice3A_257 : vector<1x2048xbf16> to vector<128x2048xbf16>
    %mul3A_259 = arith.mulf %mul3A_258, %convert_element_type3A : vector<128x2048xbf16>
    %slice3A_260 = vector.extract_strided_slice %convert_element_type3A_46 {offsets = [63, 0], sizes = [1, 2048], strides = [1, 1]} : vector<128x2048xbf16> to vector<1x2048xbf16>
    %mul3A_261 = vector.broadcast %slice3A_260 : vector<1x2048xbf16> to vector<128x2048xbf16>
    %mul3A_262 = arith.mulf %mul3A_261, %convert_element_type3A : vector<128x2048xbf16>
    %concatenate3A_263 = tpu.concatenate %mul3A_217, %mul3A_220, %mul3A_223, %mul3A_226, %mul3A_229, %mul3A_232, %mul3A_235, %mul3A_238, %mul3A_241, %mul3A_244, %mul3A_247, %mul3A_250, %mul3A_253, %mul3A_256, %mul3A_259, %mul3A_262 in 0 : vector<128x2048xbf16>, vector<128x2048xbf16>, vector<128x2048xbf16>, vector<128x2048xbf16>, vector<128x2048xbf16>, vector<128x2048xbf16>, vector<128x2048xbf16>, vector<128x2048xbf16>, vector<128x2048xbf16>, vector<128x2048xbf16>, vector<128x2048xbf16>, vector<128x2048xbf16>, vector<128x2048xbf16>, vector<128x2048xbf16>, vector<128x2048xbf16>, vector<128x2048xbf16> -> vector<2048x2048xbf16>
    %get3A_264 = arith.constant 0 : index
    %get3A_265 = arith.constant 6144 : index
    %get3A_266 = vector.load %arg11[%get3A_264, %get3A_265] : memref<128x16384xbf16, #tpu.memory_space<vmem>>, vector<128x2048xbf16>
    %dot_general3A_267 = arith.constant dense<0.000000e+00> : vector<128x2048xf32>
    %dot_general3A_268 = tpu.matmul %get3A_266, %concatenate3A_263, %dot_general3A_267 {dimension_numbers = #tpu.dot_dimension_numbers<[1], [0], [0], [1], [0, 0, 1, 1], [], []>, transpose_lhs_hint = false} : vector<128x2048xbf16>, vector<2048x2048xbf16>, vector<128x2048xf32> -> vector<128x2048xf32>
    %add3A_269 = arith.addf %add3A_214, %dot_general3A_268 : vector<128x2048xf32>
    %slice3A_270 = vector.extract_strided_slice %convert_element_type3A_46 {offsets = [64, 0], sizes = [1, 2048], strides = [1, 1]} : vector<128x2048xbf16> to vector<1x2048xbf16>
    %mul3A_271 = vector.broadcast %slice3A_270 : vector<1x2048xbf16> to vector<128x2048xbf16>
    %mul3A_272 = arith.mulf %mul3A_271, %convert_element_type3A : vector<128x2048xbf16>
    %slice3A_273 = vector.extract_strided_slice %convert_element_type3A_46 {offsets = [65, 0], sizes = [1, 2048], strides = [1, 1]} : vector<128x2048xbf16> to vector<1x2048xbf16>
    %mul3A_274 = vector.broadcast %slice3A_273 : vector<1x2048xbf16> to vector<128x2048xbf16>
    %mul3A_275 = arith.mulf %mul3A_274, %convert_element_type3A : vector<128x2048xbf16>
    %slice3A_276 = vector.extract_strided_slice %convert_element_type3A_46 {offsets = [66, 0], sizes = [1, 2048], strides = [1, 1]} : vector<128x2048xbf16> to vector<1x2048xbf16>
    %mul3A_277 = vector.broadcast %slice3A_276 : vector<1x2048xbf16> to vector<128x2048xbf16>
    %mul3A_278 = arith.mulf %mul3A_277, %convert_element_type3A : vector<128x2048xbf16>
    %slice3A_279 = vector.extract_strided_slice %convert_element_type3A_46 {offsets = [67, 0], sizes = [1, 2048], strides = [1, 1]} : vector<128x2048xbf16> to vector<1x2048xbf16>
    %mul3A_280 = vector.broadcast %slice3A_279 : vector<1x2048xbf16> to vector<128x2048xbf16>
    %mul3A_281 = arith.mulf %mul3A_280, %convert_element_type3A : vector<128x2048xbf16>
    %slice3A_282 = vector.extract_strided_slice %convert_element_type3A_46 {offsets = [68, 0], sizes = [1, 2048], strides = [1, 1]} : vector<128x2048xbf16> to vector<1x2048xbf16>
    %mul3A_283 = vector.broadcast %slice3A_282 : vector<1x2048xbf16> to vector<128x2048xbf16>
    %mul3A_284 = arith.mulf %mul3A_283, %convert_element_type3A : vector<128x2048xbf16>
    %slice3A_285 = vector.extract_strided_slice %convert_element_type3A_46 {offsets = [69, 0], sizes = [1, 2048], strides = [1, 1]} : vector<128x2048xbf16> to vector<1x2048xbf16>
    %mul3A_286 = vector.broadcast %slice3A_285 : vector<1x2048xbf16> to vector<128x2048xbf16>
    %mul3A_287 = arith.mulf %mul3A_286, %convert_element_type3A : vector<128x2048xbf16>
    %slice3A_288 = vector.extract_strided_slice %convert_element_type3A_46 {offsets = [70, 0], sizes = [1, 2048], strides = [1, 1]} : vector<128x2048xbf16> to vector<1x2048xbf16>
    %mul3A_289 = vector.broadcast %slice3A_288 : vector<1x2048xbf16> to vector<128x2048xbf16>
    %mul3A_290 = arith.mulf %mul3A_289, %convert_element_type3A : vector<128x2048xbf16>
    %slice3A_291 = vector.extract_strided_slice %convert_element_type3A_46 {offsets = [71, 0], sizes = [1, 2048], strides = [1, 1]} : vector<128x2048xbf16> to vector<1x2048xbf16>
    %mul3A_292 = vector.broadcast %slice3A_291 : vector<1x2048xbf16> to vector<128x2048xbf16>
    %mul3A_293 = arith.mulf %mul3A_292, %convert_element_type3A : vector<128x2048xbf16>
    %slice3A_294 = vector.extract_strided_slice %convert_element_type3A_46 {offsets = [72, 0], sizes = [1, 2048], strides = [1, 1]} : vector<128x2048xbf16> to vector<1x2048xbf16>
    %mul3A_295 = vector.broadcast %slice3A_294 : vector<1x2048xbf16> to vector<128x2048xbf16>
    %mul3A_296 = arith.mulf %mul3A_295, %convert_element_type3A : vector<128x2048xbf16>
    %slice3A_297 = vector.extract_strided_slice %convert_element_type3A_46 {offsets = [73, 0], sizes = [1, 2048], strides = [1, 1]} : vector<128x2048xbf16> to vector<1x2048xbf16>
    %mul3A_298 = vector.broadcast %slice3A_297 : vector<1x2048xbf16> to vector<128x2048xbf16>
    %mul3A_299 = arith.mulf %mul3A_298, %convert_element_type3A : vector<128x2048xbf16>
    %slice3A_300 = vector.extract_strided_slice %convert_element_type3A_46 {offsets = [74, 0], sizes = [1, 2048], strides = [1, 1]} : vector<128x2048xbf16> to vector<1x2048xbf16>
    %mul3A_301 = vector.broadcast %slice3A_300 : vector<1x2048xbf16> to vector<128x2048xbf16>
    %mul3A_302 = arith.mulf %mul3A_301, %convert_element_type3A : vector<128x2048xbf16>
    %slice3A_303 = vector.extract_strided_slice %convert_element_type3A_46 {offsets = [75, 0], sizes = [1, 2048], strides = [1, 1]} : vector<128x2048xbf16> to vector<1x2048xbf16>
    %mul3A_304 = vector.broadcast %slice3A_303 : vector<1x2048xbf16> to vector<128x2048xbf16>
    %mul3A_305 = arith.mulf %mul3A_304, %convert_element_type3A : vector<128x2048xbf16>
    %slice3A_306 = vector.extract_strided_slice %convert_element_type3A_46 {offsets = [76, 0], sizes = [1, 2048], strides = [1, 1]} : vector<128x2048xbf16> to vector<1x2048xbf16>
    %mul3A_307 = vector.broadcast %slice3A_306 : vector<1x2048xbf16> to vector<128x2048xbf16>
    %mul3A_308 = arith.mulf %mul3A_307, %convert_element_type3A : vector<128x2048xbf16>
    %slice3A_309 = vector.extract_strided_slice %convert_element_type3A_46 {offsets = [77, 0], sizes = [1, 2048], strides = [1, 1]} : vector<128x2048xbf16> to vector<1x2048xbf16>
    %mul3A_310 = vector.broadcast %slice3A_309 : vector<1x2048xbf16> to vector<128x2048xbf16>
    %mul3A_311 = arith.mulf %mul3A_310, %convert_element_type3A : vector<128x2048xbf16>
    %slice3A_312 = vector.extract_strided_slice %convert_element_type3A_46 {offsets = [78, 0], sizes = [1, 2048], strides = [1, 1]} : vector<128x2048xbf16> to vector<1x2048xbf16>
    %mul3A_313 = vector.broadcast %slice3A_312 : vector<1x2048xbf16> to vector<128x2048xbf16>
    %mul3A_314 = arith.mulf %mul3A_313, %convert_element_type3A : vector<128x2048xbf16>
    %slice3A_315 = vector.extract_strided_slice %convert_element_type3A_46 {offsets = [79, 0], sizes = [1, 2048], strides = [1, 1]} : vector<128x2048xbf16> to vector<1x2048xbf16>
    %mul3A_316 = vector.broadcast %slice3A_315 : vector<1x2048xbf16> to vector<128x2048xbf16>
    %mul3A_317 = arith.mulf %mul3A_316, %convert_element_type3A : vector<128x2048xbf16>
    %concatenate3A_318 = tpu.concatenate %mul3A_272, %mul3A_275, %mul3A_278, %mul3A_281, %mul3A_284, %mul3A_287, %mul3A_290, %mul3A_293, %mul3A_296, %mul3A_299, %mul3A_302, %mul3A_305, %mul3A_308, %mul3A_311, %mul3A_314, %mul3A_317 in 0 : vector<128x2048xbf16>, vector<128x2048xbf16>, vector<128x2048xbf16>, vector<128x2048xbf16>, vector<128x2048xbf16>, vector<128x2048xbf16>, vector<128x2048xbf16>, vector<128x2048xbf16>, vector<128x2048xbf16>, vector<128x2048xbf16>, vector<128x2048xbf16>, vector<128x2048xbf16>, vector<128x2048xbf16>, vector<128x2048xbf16>, vector<128x2048xbf16>, vector<128x2048xbf16> -> vector<2048x2048xbf16>
    %get3A_319 = arith.constant 0 : index
    %get3A_320 = arith.constant 8192 : index
    %get3A_321 = vector.load %arg11[%get3A_319, %get3A_320] : memref<128x16384xbf16, #tpu.memory_space<vmem>>, vector<128x2048xbf16>
    %dot_general3A_322 = arith.constant dense<0.000000e+00> : vector<128x2048xf32>
    %dot_general3A_323 = tpu.matmul %get3A_321, %concatenate3A_318, %dot_general3A_322 {dimension_numbers = #tpu.dot_dimension_numbers<[1], [0], [0], [1], [0, 0, 1, 1], [], []>, transpose_lhs_hint = false} : vector<128x2048xbf16>, vector<2048x2048xbf16>, vector<128x2048xf32> -> vector<128x2048xf32>
    %add3A_324 = arith.addf %add3A_269, %dot_general3A_323 : vector<128x2048xf32>
    %slice3A_325 = vector.extract_strided_slice %convert_element_type3A_46 {offsets = [80, 0], sizes = [1, 2048], strides = [1, 1]} : vector<128x2048xbf16> to vector<1x2048xbf16>
    %mul3A_326 = vector.broadcast %slice3A_325 : vector<1x2048xbf16> to vector<128x2048xbf16>
    %mul3A_327 = arith.mulf %mul3A_326, %convert_element_type3A : vector<128x2048xbf16>
    %slice3A_328 = vector.extract_strided_slice %convert_element_type3A_46 {offsets = [81, 0], sizes = [1, 2048], strides = [1, 1]} : vector<128x2048xbf16> to vector<1x2048xbf16>
    %mul3A_329 = vector.broadcast %slice3A_328 : vector<1x2048xbf16> to vector<128x2048xbf16>
    %mul3A_330 = arith.mulf %mul3A_329, %convert_element_type3A : vector<128x2048xbf16>
    %slice3A_331 = vector.extract_strided_slice %convert_element_type3A_46 {offsets = [82, 0], sizes = [1, 2048], strides = [1, 1]} : vector<128x2048xbf16> to vector<1x2048xbf16>
    %mul3A_332 = vector.broadcast %slice3A_331 : vector<1x2048xbf16> to vector<128x2048xbf16>
    %mul3A_333 = arith.mulf %mul3A_332, %convert_element_type3A : vector<128x2048xbf16>
    %slice3A_334 = vector.extract_strided_slice %convert_element_type3A_46 {offsets = [83, 0], sizes = [1, 2048], strides = [1, 1]} : vector<128x2048xbf16> to vector<1x2048xbf16>
    %mul3A_335 = vector.broadcast %slice3A_334 : vector<1x2048xbf16> to vector<128x2048xbf16>
    %mul3A_336 = arith.mulf %mul3A_335, %convert_element_type3A : vector<128x2048xbf16>
    %slice3A_337 = vector.extract_strided_slice %convert_element_type3A_46 {offsets = [84, 0], sizes = [1, 2048], strides = [1, 1]} : vector<128x2048xbf16> to vector<1x2048xbf16>
    %mul3A_338 = vector.broadcast %slice3A_337 : vector<1x2048xbf16> to vector<128x2048xbf16>
    %mul3A_339 = arith.mulf %mul3A_338, %convert_element_type3A : vector<128x2048xbf16>
    %slice3A_340 = vector.extract_strided_slice %convert_element_type3A_46 {offsets = [85, 0], sizes = [1, 2048], strides = [1, 1]} : vector<128x2048xbf16> to vector<1x2048xbf16>
    %mul3A_341 = vector.broadcast %slice3A_340 : vector<1x2048xbf16> to vector<128x2048xbf16>
    %mul3A_342 = arith.mulf %mul3A_341, %convert_element_type3A : vector<128x2048xbf16>
    %slice3A_343 = vector.extract_strided_slice %convert_element_type3A_46 {offsets = [86, 0], sizes = [1, 2048], strides = [1, 1]} : vector<128x2048xbf16> to vector<1x2048xbf16>
    %mul3A_344 = vector.broadcast %slice3A_343 : vector<1x2048xbf16> to vector<128x2048xbf16>
    %mul3A_345 = arith.mulf %mul3A_344, %convert_element_type3A : vector<128x2048xbf16>
    %slice3A_346 = vector.extract_strided_slice %convert_element_type3A_46 {offsets = [87, 0], sizes = [1, 2048], strides = [1, 1]} : vector<128x2048xbf16> to vector<1x2048xbf16>
    %mul3A_347 = vector.broadcast %slice3A_346 : vector<1x2048xbf16> to vector<128x2048xbf16>
    %mul3A_348 = arith.mulf %mul3A_347, %convert_element_type3A : vector<128x2048xbf16>
    %slice3A_349 = vector.extract_strided_slice %convert_element_type3A_46 {offsets = [88, 0], sizes = [1, 2048], strides = [1, 1]} : vector<128x2048xbf16> to vector<1x2048xbf16>
    %mul3A_350 = vector.broadcast %slice3A_349 : vector<1x2048xbf16> to vector<128x2048xbf16>
    %mul3A_351 = arith.mulf %mul3A_350, %convert_element_type3A : vector<128x2048xbf16>
    %slice3A_352 = vector.extract_strided_slice %convert_element_type3A_46 {offsets = [89, 0], sizes = [1, 2048], strides = [1, 1]} : vector<128x2048xbf16> to vector<1x2048xbf16>
    %mul3A_353 = vector.broadcast %slice3A_352 : vector<1x2048xbf16> to vector<128x2048xbf16>
    %mul3A_354 = arith.mulf %mul3A_353, %convert_element_type3A : vector<128x2048xbf16>
    %slice3A_355 = vector.extract_strided_slice %convert_element_type3A_46 {offsets = [90, 0], sizes = [1, 2048], strides = [1, 1]} : vector<128x2048xbf16> to vector<1x2048xbf16>
    %mul3A_356 = vector.broadcast %slice3A_355 : vector<1x2048xbf16> to vector<128x2048xbf16>
    %mul3A_357 = arith.mulf %mul3A_356, %convert_element_type3A : vector<128x2048xbf16>
    %slice3A_358 = vector.extract_strided_slice %convert_element_type3A_46 {offsets = [91, 0], sizes = [1, 2048], strides = [1, 1]} : vector<128x2048xbf16> to vector<1x2048xbf16>
    %mul3A_359 = vector.broadcast %slice3A_358 : vector<1x2048xbf16> to vector<128x2048xbf16>
    %mul3A_360 = arith.mulf %mul3A_359, %convert_element_type3A : vector<128x2048xbf16>
    %slice3A_361 = vector.extract_strided_slice %convert_element_type3A_46 {offsets = [92, 0], sizes = [1, 2048], strides = [1, 1]} : vector<128x2048xbf16> to vector<1x2048xbf16>
    %mul3A_362 = vector.broadcast %slice3A_361 : vector<1x2048xbf16> to vector<128x2048xbf16>
    %mul3A_363 = arith.mulf %mul3A_362, %convert_element_type3A : vector<128x2048xbf16>
    %slice3A_364 = vector.extract_strided_slice %convert_element_type3A_46 {offsets = [93, 0], sizes = [1, 2048], strides = [1, 1]} : vector<128x2048xbf16> to vector<1x2048xbf16>
    %mul3A_365 = vector.broadcast %slice3A_364 : vector<1x2048xbf16> to vector<128x2048xbf16>
    %mul3A_366 = arith.mulf %mul3A_365, %convert_element_type3A : vector<128x2048xbf16>
    %slice3A_367 = vector.extract_strided_slice %convert_element_type3A_46 {offsets = [94, 0], sizes = [1, 2048], strides = [1, 1]} : vector<128x2048xbf16> to vector<1x2048xbf16>
    %mul3A_368 = vector.broadcast %slice3A_367 : vector<1x2048xbf16> to vector<128x2048xbf16>
    %mul3A_369 = arith.mulf %mul3A_368, %convert_element_type3A : vector<128x2048xbf16>
    %slice3A_370 = vector.extract_strided_slice %convert_element_type3A_46 {offsets = [95, 0], sizes = [1, 2048], strides = [1, 1]} : vector<128x2048xbf16> to vector<1x2048xbf16>
    %mul3A_371 = vector.broadcast %slice3A_370 : vector<1x2048xbf16> to vector<128x2048xbf16>
    %mul3A_372 = arith.mulf %mul3A_371, %convert_element_type3A : vector<128x2048xbf16>
    %concatenate3A_373 = tpu.concatenate %mul3A_327, %mul3A_330, %mul3A_333, %mul3A_336, %mul3A_339, %mul3A_342, %mul3A_345, %mul3A_348, %mul3A_351, %mul3A_354, %mul3A_357, %mul3A_360, %mul3A_363, %mul3A_366, %mul3A_369, %mul3A_372 in 0 : vector<128x2048xbf16>, vector<128x2048xbf16>, vector<128x2048xbf16>, vector<128x2048xbf16>, vector<128x2048xbf16>, vector<128x2048xbf16>, vector<128x2048xbf16>, vector<128x2048xbf16>, vector<128x2048xbf16>, vector<128x2048xbf16>, vector<128x2048xbf16>, vector<128x2048xbf16>, vector<128x2048xbf16>, vector<128x2048xbf16>, vector<128x2048xbf16>, vector<128x2048xbf16> -> vector<2048x2048xbf16>
    %get3A_374 = arith.constant 0 : index
    %get3A_375 = arith.constant 10240 : index
    %get3A_376 = vector.load %arg11[%get3A_374, %get3A_375] : memref<128x16384xbf16, #tpu.memory_space<vmem>>, vector<128x2048xbf16>
    %dot_general3A_377 = arith.constant dense<0.000000e+00> : vector<128x2048xf32>
    %dot_general3A_378 = tpu.matmul %get3A_376, %concatenate3A_373, %dot_general3A_377 {dimension_numbers = #tpu.dot_dimension_numbers<[1], [0], [0], [1], [0, 0, 1, 1], [], []>, transpose_lhs_hint = false} : vector<128x2048xbf16>, vector<2048x2048xbf16>, vector<128x2048xf32> -> vector<128x2048xf32>
    %add3A_379 = arith.addf %add3A_324, %dot_general3A_378 : vector<128x2048xf32>
    %slice3A_380 = vector.extract_strided_slice %convert_element_type3A_46 {offsets = [96, 0], sizes = [1, 2048], strides = [1, 1]} : vector<128x2048xbf16> to vector<1x2048xbf16>
    %mul3A_381 = vector.broadcast %slice3A_380 : vector<1x2048xbf16> to vector<128x2048xbf16>
    %mul3A_382 = arith.mulf %mul3A_381, %convert_element_type3A : vector<128x2048xbf16>
    %slice3A_383 = vector.extract_strided_slice %convert_element_type3A_46 {offsets = [97, 0], sizes = [1, 2048], strides = [1, 1]} : vector<128x2048xbf16> to vector<1x2048xbf16>
    %mul3A_384 = vector.broadcast %slice3A_383 : vector<1x2048xbf16> to vector<128x2048xbf16>
    %mul3A_385 = arith.mulf %mul3A_384, %convert_element_type3A : vector<128x2048xbf16>
    %slice3A_386 = vector.extract_strided_slice %convert_element_type3A_46 {offsets = [98, 0], sizes = [1, 2048], strides = [1, 1]} : vector<128x2048xbf16> to vector<1x2048xbf16>
    %mul3A_387 = vector.broadcast %slice3A_386 : vector<1x2048xbf16> to vector<128x2048xbf16>
    %mul3A_388 = arith.mulf %mul3A_387, %convert_element_type3A : vector<128x2048xbf16>
    %slice3A_389 = vector.extract_strided_slice %convert_element_type3A_46 {offsets = [99, 0], sizes = [1, 2048], strides = [1, 1]} : vector<128x2048xbf16> to vector<1x2048xbf16>
    %mul3A_390 = vector.broadcast %slice3A_389 : vector<1x2048xbf16> to vector<128x2048xbf16>
    %mul3A_391 = arith.mulf %mul3A_390, %convert_element_type3A : vector<128x2048xbf16>
    %slice3A_392 = vector.extract_strided_slice %convert_element_type3A_46 {offsets = [100, 0], sizes = [1, 2048], strides = [1, 1]} : vector<128x2048xbf16> to vector<1x2048xbf16>
    %mul3A_393 = vector.broadcast %slice3A_392 : vector<1x2048xbf16> to vector<128x2048xbf16>
    %mul3A_394 = arith.mulf %mul3A_393, %convert_element_type3A : vector<128x2048xbf16>
    %slice3A_395 = vector.extract_strided_slice %convert_element_type3A_46 {offsets = [101, 0], sizes = [1, 2048], strides = [1, 1]} : vector<128x2048xbf16> to vector<1x2048xbf16>
    %mul3A_396 = vector.broadcast %slice3A_395 : vector<1x2048xbf16> to vector<128x2048xbf16>
    %mul3A_397 = arith.mulf %mul3A_396, %convert_element_type3A : vector<128x2048xbf16>
    %slice3A_398 = vector.extract_strided_slice %convert_element_type3A_46 {offsets = [102, 0], sizes = [1, 2048], strides = [1, 1]} : vector<128x2048xbf16> to vector<1x2048xbf16>
    %mul3A_399 = vector.broadcast %slice3A_398 : vector<1x2048xbf16> to vector<128x2048xbf16>
    %mul3A_400 = arith.mulf %mul3A_399, %convert_element_type3A : vector<128x2048xbf16>
    %slice3A_401 = vector.extract_strided_slice %convert_element_type3A_46 {offsets = [103, 0], sizes = [1, 2048], strides = [1, 1]} : vector<128x2048xbf16> to vector<1x2048xbf16>
    %mul3A_402 = vector.broadcast %slice3A_401 : vector<1x2048xbf16> to vector<128x2048xbf16>
    %mul3A_403 = arith.mulf %mul3A_402, %convert_element_type3A : vector<128x2048xbf16>
    %slice3A_404 = vector.extract_strided_slice %convert_element_type3A_46 {offsets = [104, 0], sizes = [1, 2048], strides = [1, 1]} : vector<128x2048xbf16> to vector<1x2048xbf16>
    %mul3A_405 = vector.broadcast %slice3A_404 : vector<1x2048xbf16> to vector<128x2048xbf16>
    %mul3A_406 = arith.mulf %mul3A_405, %convert_element_type3A : vector<128x2048xbf16>
    %slice3A_407 = vector.extract_strided_slice %convert_element_type3A_46 {offsets = [105, 0], sizes = [1, 2048], strides = [1, 1]} : vector<128x2048xbf16> to vector<1x2048xbf16>
    %mul3A_408 = vector.broadcast %slice3A_407 : vector<1x2048xbf16> to vector<128x2048xbf16>
    %mul3A_409 = arith.mulf %mul3A_408, %convert_element_type3A : vector<128x2048xbf16>
    %slice3A_410 = vector.extract_strided_slice %convert_element_type3A_46 {offsets = [106, 0], sizes = [1, 2048], strides = [1, 1]} : vector<128x2048xbf16> to vector<1x2048xbf16>
    %mul3A_411 = vector.broadcast %slice3A_410 : vector<1x2048xbf16> to vector<128x2048xbf16>
    %mul3A_412 = arith.mulf %mul3A_411, %convert_element_type3A : vector<128x2048xbf16>
    %slice3A_413 = vector.extract_strided_slice %convert_element_type3A_46 {offsets = [107, 0], sizes = [1, 2048], strides = [1, 1]} : vector<128x2048xbf16> to vector<1x2048xbf16>
    %mul3A_414 = vector.broadcast %slice3A_413 : vector<1x2048xbf16> to vector<128x2048xbf16>
    %mul3A_415 = arith.mulf %mul3A_414, %convert_element_type3A : vector<128x2048xbf16>
    %slice3A_416 = vector.extract_strided_slice %convert_element_type3A_46 {offsets = [108, 0], sizes = [1, 2048], strides = [1, 1]} : vector<128x2048xbf16> to vector<1x2048xbf16>
    %mul3A_417 = vector.broadcast %slice3A_416 : vector<1x2048xbf16> to vector<128x2048xbf16>
    %mul3A_418 = arith.mulf %mul3A_417, %convert_element_type3A : vector<128x2048xbf16>
    %slice3A_419 = vector.extract_strided_slice %convert_element_type3A_46 {offsets = [109, 0], sizes = [1, 2048], strides = [1, 1]} : vector<128x2048xbf16> to vector<1x2048xbf16>
    %mul3A_420 = vector.broadcast %slice3A_419 : vector<1x2048xbf16> to vector<128x2048xbf16>
    %mul3A_421 = arith.mulf %mul3A_420, %convert_element_type3A : vector<128x2048xbf16>
    %slice3A_422 = vector.extract_strided_slice %convert_element_type3A_46 {offsets = [110, 0], sizes = [1, 2048], strides = [1, 1]} : vector<128x2048xbf16> to vector<1x2048xbf16>
    %mul3A_423 = vector.broadcast %slice3A_422 : vector<1x2048xbf16> to vector<128x2048xbf16>
    %mul3A_424 = arith.mulf %mul3A_423, %convert_element_type3A : vector<128x2048xbf16>
    %slice3A_425 = vector.extract_strided_slice %convert_element_type3A_46 {offsets = [111, 0], sizes = [1, 2048], strides = [1, 1]} : vector<128x2048xbf16> to vector<1x2048xbf16>
    %mul3A_426 = vector.broadcast %slice3A_425 : vector<1x2048xbf16> to vector<128x2048xbf16>
    %mul3A_427 = arith.mulf %mul3A_426, %convert_element_type3A : vector<128x2048xbf16>
    %concatenate3A_428 = tpu.concatenate %mul3A_382, %mul3A_385, %mul3A_388, %mul3A_391, %mul3A_394, %mul3A_397, %mul3A_400, %mul3A_403, %mul3A_406, %mul3A_409, %mul3A_412, %mul3A_415, %mul3A_418, %mul3A_421, %mul3A_424, %mul3A_427 in 0 : vector<128x2048xbf16>, vector<128x2048xbf16>, vector<128x2048xbf16>, vector<128x2048xbf16>, vector<128x2048xbf16>, vector<128x2048xbf16>, vector<128x2048xbf16>, vector<128x2048xbf16>, vector<128x2048xbf16>, vector<128x2048xbf16>, vector<128x2048xbf16>, vector<128x2048xbf16>, vector<128x2048xbf16>, vector<128x2048xbf16>, vector<128x2048xbf16>, vector<128x2048xbf16> -> vector<2048x2048xbf16>
    %get3A_429 = arith.constant 0 : index
    %get3A_430 = arith.constant 12288 : index
    %get3A_431 = vector.load %arg11[%get3A_429, %get3A_430] : memref<128x16384xbf16, #tpu.memory_space<vmem>>, vector<128x2048xbf16>
    %dot_general3A_432 = arith.constant dense<0.000000e+00> : vector<128x2048xf32>
    %dot_general3A_433 = tpu.matmul %get3A_431, %concatenate3A_428, %dot_general3A_432 {dimension_numbers = #tpu.dot_dimension_numbers<[1], [0], [0], [1], [0, 0, 1, 1], [], []>, transpose_lhs_hint = false} : vector<128x2048xbf16>, vector<2048x2048xbf16>, vector<128x2048xf32> -> vector<128x2048xf32>
    %add3A_434 = arith.addf %add3A_379, %dot_general3A_433 : vector<128x2048xf32>
    %slice3A_435 = vector.extract_strided_slice %convert_element_type3A_46 {offsets = [112, 0], sizes = [1, 2048], strides = [1, 1]} : vector<128x2048xbf16> to vector<1x2048xbf16>
    %mul3A_436 = vector.broadcast %slice3A_435 : vector<1x2048xbf16> to vector<128x2048xbf16>
    %mul3A_437 = arith.mulf %mul3A_436, %convert_element_type3A : vector<128x2048xbf16>
    %slice3A_438 = vector.extract_strided_slice %convert_element_type3A_46 {offsets = [113, 0], sizes = [1, 2048], strides = [1, 1]} : vector<128x2048xbf16> to vector<1x2048xbf16>
    %mul3A_439 = vector.broadcast %slice3A_438 : vector<1x2048xbf16> to vector<128x2048xbf16>
    %mul3A_440 = arith.mulf %mul3A_439, %convert_element_type3A : vector<128x2048xbf16>
    %slice3A_441 = vector.extract_strided_slice %convert_element_type3A_46 {offsets = [114, 0], sizes = [1, 2048], strides = [1, 1]} : vector<128x2048xbf16> to vector<1x2048xbf16>
    %mul3A_442 = vector.broadcast %slice3A_441 : vector<1x2048xbf16> to vector<128x2048xbf16>
    %mul3A_443 = arith.mulf %mul3A_442, %convert_element_type3A : vector<128x2048xbf16>
    %slice3A_444 = vector.extract_strided_slice %convert_element_type3A_46 {offsets = [115, 0], sizes = [1, 2048], strides = [1, 1]} : vector<128x2048xbf16> to vector<1x2048xbf16>
    %mul3A_445 = vector.broadcast %slice3A_444 : vector<1x2048xbf16> to vector<128x2048xbf16>
    %mul3A_446 = arith.mulf %mul3A_445, %convert_element_type3A : vector<128x2048xbf16>
    %slice3A_447 = vector.extract_strided_slice %convert_element_type3A_46 {offsets = [116, 0], sizes = [1, 2048], strides = [1, 1]} : vector<128x2048xbf16> to vector<1x2048xbf16>
    %mul3A_448 = vector.broadcast %slice3A_447 : vector<1x2048xbf16> to vector<128x2048xbf16>
    %mul3A_449 = arith.mulf %mul3A_448, %convert_element_type3A : vector<128x2048xbf16>
    %slice3A_450 = vector.extract_strided_slice %convert_element_type3A_46 {offsets = [117, 0], sizes = [1, 2048], strides = [1, 1]} : vector<128x2048xbf16> to vector<1x2048xbf16>
    %mul3A_451 = vector.broadcast %slice3A_450 : vector<1x2048xbf16> to vector<128x2048xbf16>
    %mul3A_452 = arith.mulf %mul3A_451, %convert_element_type3A : vector<128x2048xbf16>
    %slice3A_453 = vector.extract_strided_slice %convert_element_type3A_46 {offsets = [118, 0], sizes = [1, 2048], strides = [1, 1]} : vector<128x2048xbf16> to vector<1x2048xbf16>
    %mul3A_454 = vector.broadcast %slice3A_453 : vector<1x2048xbf16> to vector<128x2048xbf16>
    %mul3A_455 = arith.mulf %mul3A_454, %convert_element_type3A : vector<128x2048xbf16>
    %slice3A_456 = vector.extract_strided_slice %convert_element_type3A_46 {offsets = [119, 0], sizes = [1, 2048], strides = [1, 1]} : vector<128x2048xbf16> to vector<1x2048xbf16>
    %mul3A_457 = vector.broadcast %slice3A_456 : vector<1x2048xbf16> to vector<128x2048xbf16>
    %mul3A_458 = arith.mulf %mul3A_457, %convert_element_type3A : vector<128x2048xbf16>
    %slice3A_459 = vector.extract_strided_slice %convert_element_type3A_46 {offsets = [120, 0], sizes = [1, 2048], strides = [1, 1]} : vector<128x2048xbf16> to vector<1x2048xbf16>
    %mul3A_460 = vector.broadcast %slice3A_459 : vector<1x2048xbf16> to vector<128x2048xbf16>
    %mul3A_461 = arith.mulf %mul3A_460, %convert_element_type3A : vector<128x2048xbf16>
    %slice3A_462 = vector.extract_strided_slice %convert_element_type3A_46 {offsets = [121, 0], sizes = [1, 2048], strides = [1, 1]} : vector<128x2048xbf16> to vector<1x2048xbf16>
    %mul3A_463 = vector.broadcast %slice3A_462 : vector<1x2048xbf16> to vector<128x2048xbf16>
    %mul3A_464 = arith.mulf %mul3A_463, %convert_element_type3A : vector<128x2048xbf16>
    %slice3A_465 = vector.extract_strided_slice %convert_element_type3A_46 {offsets = [122, 0], sizes = [1, 2048], strides = [1, 1]} : vector<128x2048xbf16> to vector<1x2048xbf16>
    %mul3A_466 = vector.broadcast %slice3A_465 : vector<1x2048xbf16> to vector<128x2048xbf16>
    %mul3A_467 = arith.mulf %mul3A_466, %convert_element_type3A : vector<128x2048xbf16>
    %slice3A_468 = vector.extract_strided_slice %convert_element_type3A_46 {offsets = [123, 0], sizes = [1, 2048], strides = [1, 1]} : vector<128x2048xbf16> to vector<1x2048xbf16>
    %mul3A_469 = vector.broadcast %slice3A_468 : vector<1x2048xbf16> to vector<128x2048xbf16>
    %mul3A_470 = arith.mulf %mul3A_469, %convert_element_type3A : vector<128x2048xbf16>
    %slice3A_471 = vector.extract_strided_slice %convert_element_type3A_46 {offsets = [124, 0], sizes = [1, 2048], strides = [1, 1]} : vector<128x2048xbf16> to vector<1x2048xbf16>
    %mul3A_472 = vector.broadcast %slice3A_471 : vector<1x2048xbf16> to vector<128x2048xbf16>
    %mul3A_473 = arith.mulf %mul3A_472, %convert_element_type3A : vector<128x2048xbf16>
    %slice3A_474 = vector.extract_strided_slice %convert_element_type3A_46 {offsets = [125, 0], sizes = [1, 2048], strides = [1, 1]} : vector<128x2048xbf16> to vector<1x2048xbf16>
    %mul3A_475 = vector.broadcast %slice3A_474 : vector<1x2048xbf16> to vector<128x2048xbf16>
    %mul3A_476 = arith.mulf %mul3A_475, %convert_element_type3A : vector<128x2048xbf16>
    %slice3A_477 = vector.extract_strided_slice %convert_element_type3A_46 {offsets = [126, 0], sizes = [1, 2048], strides = [1, 1]} : vector<128x2048xbf16> to vector<1x2048xbf16>
    %mul3A_478 = vector.broadcast %slice3A_477 : vector<1x2048xbf16> to vector<128x2048xbf16>
    %mul3A_479 = arith.mulf %mul3A_478, %convert_element_type3A : vector<128x2048xbf16>
    %slice3A_480 = vector.extract_strided_slice %convert_element_type3A_46 {offsets = [127, 0], sizes = [1, 2048], strides = [1, 1]} : vector<128x2048xbf16> to vector<1x2048xbf16>
    %mul3A_481 = vector.broadcast %slice3A_480 : vector<1x2048xbf16> to vector<128x2048xbf16>
    %mul3A_482 = arith.mulf %mul3A_481, %convert_element_type3A : vector<128x2048xbf16>
    %concatenate3A_483 = tpu.concatenate %mul3A_437, %mul3A_440, %mul3A_443, %mul3A_446, %mul3A_449, %mul3A_452, %mul3A_455, %mul3A_458, %mul3A_461, %mul3A_464, %mul3A_467, %mul3A_470, %mul3A_473, %mul3A_476, %mul3A_479, %mul3A_482 in 0 : vector<128x2048xbf16>, vector<128x2048xbf16>, vector<128x2048xbf16>, vector<128x2048xbf16>, vector<128x2048xbf16>, vector<128x2048xbf16>, vector<128x2048xbf16>, vector<128x2048xbf16>, vector<128x2048xbf16>, vector<128x2048xbf16>, vector<128x2048xbf16>, vector<128x2048xbf16>, vector<128x2048xbf16>, vector<128x2048xbf16>, vector<128x2048xbf16>, vector<128x2048xbf16> -> vector<2048x2048xbf16>
    %get3A_484 = arith.constant 0 : index
    %get3A_485 = arith.constant 14336 : index
    %get3A_486 = vector.load %arg11[%get3A_484, %get3A_485] : memref<128x16384xbf16, #tpu.memory_space<vmem>>, vector<128x2048xbf16>
    %dot_general3A_487 = arith.constant dense<0.000000e+00> : vector<128x2048xf32>
    %dot_general3A_488 = tpu.matmul %get3A_486, %concatenate3A_483, %dot_general3A_487 {dimension_numbers = #tpu.dot_dimension_numbers<[1], [0], [0], [1], [0, 0, 1, 1], [], []>, transpose_lhs_hint = false} : vector<128x2048xbf16>, vector<2048x2048xbf16>, vector<128x2048xf32> -> vector<128x2048xf32>
    %add3A_489 = arith.addf %add3A_434, %dot_general3A_488 : vector<128x2048xf32>
    %get3A_490 = arith.constant 0 : index
    %get3A_491 = arith.constant 0 : index
    %get3A_492 = vector.load %arg10[%get3A_490, %get3A_491] : memref<2048x1xi32, #tpu.memory_space<vmem>>, vector<2048x1xi32>
    %iota3A = tpu.iota {dimensions = array<i32: 1>} : vector<2048x64xi32>
    %eq3A = vector.broadcast %get3A_492 : vector<2048x1xi32> to vector<2048x64xi32>
    %eq3A_493 = arith.cmpi eq, %eq3A, %iota3A : vector<2048x64xi32>
    %convert_element_type3A_494 = arith.extui %eq3A_493 : vector<2048x64xi1> to vector<2048x64xi32>
    %convert_element_type3A_495 = arith.sitofp %convert_element_type3A_494 : vector<2048x64xi32> to vector<2048x64xf32>
    %dot_general3A_496 = arith.constant dense<0.000000e+00> : vector<128x64xf32>
    %dot_general3A_497 = tpu.matmul %add3A_489, %convert_element_type3A_495, %dot_general3A_496 {dimension_numbers = #tpu.dot_dimension_numbers<[1], [0], [0], [1], [0, 0, 1, 1], [], []>, transpose_lhs_hint = false} : vector<128x2048xf32>, vector<2048x64xf32>, vector<128x64xf32> -> vector<128x64xf32>
    %eq3A_498 = arith.constant 0 : i32
    %eq3A_499 = arith.cmpi eq, %arg0, %eq3A_498 : i32
    %convert_element_type3A_500 = arith.extui %eq3A_499 : i1 to i32
    %cond3A = arith.constant 0 : i32
    %cond3A_501 = arith.cmpi ne, %convert_element_type3A_500, %cond3A : i32
    scf.if %cond3A_501 {
      %swap3A = arith.constant 0 : index
      %swap3A_511 = arith.constant 0 : index
      %swap3A_512 = vector.load %arg14[%swap3A, %swap3A_511] : memref<128x64xf32, #tpu.memory_space<vmem>>, vector<128x64xf32>
      tpu.vector_store %arg14[%swap3A, %swap3A_511], %dot_general3A_497 {strides = array<i32>} : memref<128x64xf32, #tpu.memory_space<vmem>>, vector<128x64xf32>,
    } else {
    }
    %ne3A = arith.constant 0 : i32
    %ne3A_502 = arith.cmpi ne, %arg0, %ne3A : i32
    %convert_element_type3A_503 = arith.extui %ne3A_502 : i1 to i32
    %cond3A_504 = arith.constant 0 : i32
    %cond3A_505 = arith.cmpi ne, %convert_element_type3A_503, %cond3A_504 : i32
    scf.if %cond3A_505 {
      %get3A_511 = arith.constant 0 : index
      %get3A_512 = arith.constant 0 : index
      %get3A_513 = vector.load %arg14[%get3A_511, %get3A_512] : memref<128x64xf32, #tpu.memory_space<vmem>>, vector<128x64xf32>
      %add3A_514 = arith.addf %get3A_513, %dot_general3A_497 : vector<128x64xf32>
      %swap3A = arith.constant 0 : index
      %swap3A_515 = arith.constant 0 : index
      %swap3A_516 = vector.load %arg14[%swap3A, %swap3A_515] : memref<128x64xf32, #tpu.memory_space<vmem>>, vector<128x64xf32>
      tpu.vector_store %arg14[%swap3A, %swap3A_515], %add3A_514 {strides = array<i32>} : memref<128x64xf32, #tpu.memory_space<vmem>>, vector<128x64xf32>,
    } else {
    }
    %eq3A_506 = arith.constant 3 : i32
    %eq3A_507 = arith.cmpi eq, %arg0, %eq3A_506 : i32
    %convert_element_type3A_508 = arith.extui %eq3A_507 : i1 to i32
    %cond3A_509 = arith.constant 0 : i32
    %cond3A_510 = arith.cmpi ne, %convert_element_type3A_508, %cond3A_509 : i32
    scf.if %cond3A_510 {
      %get3A_511 = arith.constant 0 : index
      %get3A_512 = arith.constant 0 : index
      %get3A_513 = vector.load %arg14[%get3A_511, %get3A_512] : memref<128x64xf32, #tpu.memory_space<vmem>>, vector<128x64xf32>
      %transpose3A_514 = tpu.transpose %get3A_513, [1, 0] : vector<128x64xf32> -> vector<64x128xf32>
      %swap3A = arith.constant 0 : index
      %swap3A_515 = arith.constant 0 : index
      %swap3A_516 = vector.load %arg13[%swap3A, %swap3A_515] : memref<64x128xf32, #tpu.memory_space<vmem>>, vector<64x128xf32>
      tpu.vector_store %arg13[%swap3A, %swap3A_515], %transpose3A_514 {strides = array<i32>} : memref<64x128xf32, #tpu.memory_space<vmem>>, vector<64x128xf32>,
    } else {
    }
    return
  }
  func.func @transform_0(%arg0: i32) -> (i32, i32) {
    %c0_i32 = arith.constant 0 : i32
    %c0_i32_0 = arith.constant 0 : i32
    return %arg0, %c0_i32 : i32, i32
  }
  func.func @transform_1(%arg0: i32) -> (i32, i32) {
    %c0_i32 = arith.constant 0 : i32
    %c0_i32_0 = arith.constant 0 : i32
    %c0_i32_1 = arith.constant 0 : i32
    return %c0_i32, %c0_i32_0 : i32, i32
  }
  func.func @transform_2(%arg0: i32) -> (i32, i32) {
    %c0_i32 = arith.constant 0 : i32
    %c0_i32_0 = arith.constant 0 : i32
    %c0_i32_1 = arith.constant 0 : i32
    return %c0_i32, %c0_i32_0 : i32, i32
  }
  func.func @transform_3(%arg0: i32) -> (i32, i32) {
    %c0_i32 = arith.constant 0 : i32
    %c0_i32_0 = arith.constant 0 : i32
    %c0_i32_1 = arith.constant 0 : i32
    return %c0_i32, %c0_i32_0 : i32, i32
  }
  func.func @transform_4(%arg0: i32) -> (i32, i32) {
    %c0_i32 = arith.constant 0 : i32
    %c0_i32_0 = arith.constant 0 : i32
    %c0_i32_1 = arith.constant 0 : i32
    return %c0_i32, %c0_i32_0 : i32, i32
  }
  func.func @transform_5(%arg0: i32) -> (i32, i32) {
    %c0_i32 = arith.constant 0 : i32
    %c0_i32_0 = arith.constant 0 : i32
    %c0_i32_1 = arith.constant 0 : i32
    return %c0_i32, %c0_i32_0 : i32, i32
  }
  func.func @transform_6(%arg0: i32) -> (i32, i32) {
    %c0_i32 = arith.constant 0 : i32
    %c0_i32_0 = arith.constant 0 : i32
    %c0_i32_1 = arith.constant 0 : i32
    return %c0_i32, %c0_i32_0 : i32, i32
  }
  func.func @transform_7(%arg0: i32) -> (i32, i32) {
    %c0_i32 = arith.constant 0 : i32
    %c0_i32_0 = arith.constant 0 : i32
    return %arg0, %c0_i32 : i32, i32
  }
  func.func @transform_8(%arg0: i32) -> (i32, i32) {
    %c0_i32 = arith.constant 0 : i32
    %c0_i32_0 = arith.constant 0 : i32
    return %c0_i32, %arg0 : i32, i32
  }
  func.func @transform_9(%arg0: i32) -> (i32, i32) {
    %c0_i32 = arith.constant 0 : i32
    %c0_i32_0 = arith.constant 0 : i32
    return %arg0, %c0_i32 : i32, i32
  }
  func.func @transform_10(%arg0: i32) -> (i32, i32) {
    %c0_i32 = arith.constant 0 : i32
    %c0_i32_0 = arith.constant 0 : i32
    %c0_i32_1 = arith.constant 0 : i32
    return %c0_i32, %c0_i32_0 : i32, i32
  }
  func.func @transform_11(%arg0: i32) -> (i32, i32) {
    %c0_i32 = arith.constant 0 : i32
    %c0_i32_0 = arith.constant 0 : i32
    %c0_i32_1 = arith.constant 0 : i32
    return %c0_i32, %c0_i32_0 : i32, i32
  }
  func.func @transform_12(%arg0: i32) -> (i32, i32) {
    %c0_i32 = arith.constant 0 : i32
    %c0_i32_0 = arith.constant 0 : i32
    %c0_i32_1 = arith.constant 0 : i32
    return %c0_i32, %c0_i32_0 : i32, i32
  }
}

</mosaic_0001>

<sc_bundles>
// kernel: kernel.4.cloned.1.call-start
scs
__scs_entry_jumppad:
0x0: {  	(pc) =	sbr.rel $0x88, $3  }
0x1: {  	(tag) =	ssettag $0x0;
	lr =	simm.s32 $0x1  }
0x2: {  	[smem:$0x3F95] =	sst lr;
	_ =	strace $0xD0000000  }
0x3: {  	_ = 	snop  }
0x4: {  	_ = 	snop  }
0x5: {  	_ = 	snop  }
0x6: {  	_ = 	snop  }
0x7: {  	_ = 	snop  }
__scs_overlays_trampoline_lowered:
0x8: {  	[smem:$0x3FA4] =	sst s0  }
0x9: {  	[smem:$0x3FA5] =	sst s1  }
0xa: {  	[smem:$0x3FA6] =	sst s2  }
0xb: {  	[smem:$0x3FA7] =	sst s3  }
0xc: {  	[smem:$0x3FA8] =	sst s4  }
0xd: {  	[smem:$0x3FA9] =	sst s5  }
0xe: {  	[smem:$0x3FAA] =	sst s6  }
0xf: {  	[smem:$0x3FAB] =	sst s7  }
0x10: {  	[smem:$0x3FAC] =	sst s8  }
0x11: {  	[smem:$0x3FAD] =	sst s9;
	s0 =	simm.s32 @!p0 $0x0  }
0x12: {  	s1 =	sld [smem:$0x3F93];
	s0 =	simm.s32 @p0 $0x1  }
0x13: {  	[smem:$0x3FAE] =	sst s0;
	s0 =	simm.s32 @!p1 $0x0  }
0x14: {  	s2 =	sld [smem:$0x3F92];
	s0 =	simm.s32 @p1 $0x1  }
0x15: {  	[smem:$0x3FAF] =	sst s0;
	s0 =	simm.s32 @!p2 $0x0  }
0x16: {  	s3 =	sld [smem:$0x3FDB];
	s0 =	simm.s32 @p2 $0x1  }
0x17: {  	s4 =	simm.s32 $0x1BF5;
	[smem:$0x3FB1] =	sst s0  }
0x18: {  	s0 =	sld [smem:$0x3F94];
	_ =	swait.ge [sflag:s4], $0x0  }
0x19: {  	s7 =	sld [smem:$0x3F95]  }
0x1a: {  	s8 =	sadd.s32 $0xFFFFE003, lr  }
0x1b: {  	s9 =	sadd.s32 $0xFFFFFEF7, lr;
	s5 =	simm.s32 $0xFFFFFFFF;
	p2 =	slt.u32 s8, $0xFFFFF086  }
0x1c: {  	p1 =	slt.u32 s9, $0xF7A;
	s5 =	simm.s32 @!p2 $0x0  }
0x1d: {  	s5 =	simm.s32 @p1 $0x1;
	p0 =	seq.s32 s7, s2  }
0x1e: {  	s7 =	smul.u32 @!p0 $0xF7A, s2;
	p2 =	seq.s32 @!p0 s5, $0x0  }
0x1f: {  	s9 =	smul.u32 $0xF7A, s1;
	s8 =	simm.s32 @!p0 $0x1BF5;
	p2 =	por !p2, p0  }
0x20: {  	[sflag:s8] =	ssyncset.s32 @!p0 $0xFFFFF086;
	s6 =	sadd.s32 @!p0 s3, s7;
	s7 =	simm.s32 @!p0 $0x108  }
0x21: {  	s3 =	sadd.s32 s3, s9;
	s6 =	sadd.s32 @!p0 $0x88, s6;
	s7 =	simm.s32 @p2 $0x1082  }
0x22: {  	[simem:s7], [sflag:s8] =	dma.local @!p0 [hbm:s6], $0xF7A  }
0x23: {  	s9 =	sor.u32 $0xD0000000, s2;
	s6 =	simm.s32 $0x108;
	_ =	swait.ge @!p0 [sflag:s8], $0x0  }
0x24: {  	s3 =	sadd.s32 $0x88, s3;
	s6 =	simm.s32 @!p1 $0x1082;
	[sflag:s4] =	ssyncset.s32 $0xFFFFF086  }
0x25: {  	[simem:s6], [sflag:s4] =	dma.local [hbm:s3], $0xF7A  }
0x26: {  	[smem:$0x3F95] =	sst s1;
	(tag) =	ssettag s2;
	_ =	strace s9  }
0x27: {  	s1 =	sld [smem:$0x3FA5]  }
0x28: {  	s2 =	sld [smem:$0x3FA6]  }
0x29: {  	s4 =	sld [smem:$0x3FA8]  }
0x2a: {  	p0 =	seq.s32 s5, $0x0;
	s5 =	sld [smem:$0x3FA9]  }
0x2b: {  	s6 =	sld [smem:$0x3FAA]  }
0x2c: {  	s7 =	sld [smem:$0x3FAB]  }
0x2d: {  	s3 =	simm.s32 $0x108;
	s8 =	sld [smem:$0x3FAC]  }
0x2e: {  	s3 =	simm.s32 @!p0 $0x1082;
	s9 =	sld [smem:$0x3FAD]  }
0x2f: {  	lr =	sadd.s32 s0, s3;
	s0 =	sld [smem:$0x3FA4]  }
0x30: {  	s3 =	sld [smem:$0x3FA7]  }
0x31: {  	[smem:$0x3FB0] =	sst s10  }
0x32: {  	s10 =	sld [smem:$0x3FAE];
	_ =	sdelay $0x3  }
0x33: {  	p0 =	seq.s32 s10, $0x1;
	s10 =	sld [smem:$0x3FB0];
	_ =	sdelay $0x3  }
0x34: {  	[smem:$0x3FB0] =	sst s10  }
0x35: {  	s10 =	sld [smem:$0x3FAF];
	_ =	sdelay $0x3  }
0x36: {  	p1 =	seq.s32 s10, $0x1;
	s10 =	sld [smem:$0x3FB0];
	_ =	sdelay $0x3  }
0x37: {  	[smem:$0x3FB0] =	sst s10  }
0x38: {  	s10 =	sld [smem:$0x3FB1]  }
0x39: {  	_ = 	snop;
	(pc) =	sbr.ind lr, $3  }
0x3a: {  	_ = 	snop  }
0x3b: {  	_ = 	snop  }
0x3c: {  	p2 =	seq.s32 s10, $0x1;
	s10 =	sld [smem:$0x3FB0]  }
0x3d: {  	_ =	shalt  }
0x3e: {  	_ =	shalt  }
0x3f: {  	_ =	shalt  }
0x40: {  	_ =	shalt  }
0x41: {  	_ =	shalt  }
0x42: {  	_ =	shalt  }
0x43: {  	_ =	shalt  }
0x44: {  	_ =	shalt  }
0x45: {  	_ =	shalt  }
0x46: {  	_ =	shalt  }
0x47: {  	_ =	shalt  }
0x48: {  	_ =	shalt  }
0x49: {  	_ =	shalt  }
0x4a: {  	_ =	shalt  }
0x4b: {  	_ =	shalt  }
0x4c: {  	_ =	shalt  }
0x4d: {  	_ =	shalt  }
0x4e: {  	_ =	shalt  }
0x4f: {  	_ =	shalt  }
0x50: {  	_ =	shalt  }
0x51: {  	_ =	shalt  }
0x52: {  	_ =	shalt  }
0x53: {  	_ =	shalt  }
0x54: {  	_ =	shalt  }
0x55: {  	_ =	shalt  }
0x56: {  	_ =	shalt  }
0x57: {  	_ =	shalt  }
0x58: {  	_ =	shalt  }
0x59: {  	_ =	shalt  }
0x5a: {  	_ =	shalt  }
0x5b: {  	_ =	shalt  }
0x5c: {  	_ =	shalt  }
0x5d: {  	_ =	shalt  }
0x5e: {  	_ =	shalt  }
0x5f: {  	_ =	shalt  }
0x60: {  	_ =	shalt  }
0x61: {  	_ =	shalt  }
0x62: {  	_ =	shalt  }
0x63: {  	_ =	shalt  }
0x64: {  	_ =	shalt  }
0x65: {  	_ =	shalt  }
0x66: {  	_ =	shalt  }
0x67: {  	_ =	shalt  }
0x68: {  	_ =	shalt  }
0x69: {  	_ =	shalt  }
0x6a: {  	_ =	shalt  }
0x6b: {  	_ =	shalt  }
0x6c: {  	_ =	shalt  }
0x6d: {  	_ =	shalt  }
0x6e: {  	_ =	shalt  }
0x6f: {  	_ =	shalt  }
0x70: {  	_ =	shalt  }
0x71: {  	_ =	shalt  }
0x72: {  	_ =	shalt  }
0x73: {  	_ =	shalt  }
0x74: {  	_ =	shalt  }
0x75: {  	_ =	shalt  }
0x76: {  	_ =	shalt  }
0x77: {  	_ =	shalt  }
0x78: {  	_ =	shalt  }
0x79: {  	_ =	shalt  }
0x7a: {  	_ =	shalt  }
0x7b: {  	_ =	shalt  }
0x7c: {  	_ =	shalt  }
0x7d: {  	_ =	shalt  }
0x7e: {  	_ =	shalt  }
0x7f: {  	_ =	shalt  }
0x80: {  	_ =	shalt  }
0x81: {  	_ =	shalt  }
0x82: {  	_ =	shalt  }
0x83: {  	_ =	shalt  }
0x84: {  	_ =	shalt  }
0x85: {  	_ =	shalt  }
0x86: {  	_ =	shalt  }
0x87: {  	_ =	shalt  }
.Lfunc_end0:
.L_simem_size_0:
called_computation_lowered:
.L_overlay_start_0:
0x88: {  	s2 =	sld [smem:$0x3FD9]  }
0x89: {  	s3 =	sld [smem:$0x3FFE];
	_ =	sdelay $0x1  }
0x8a: {  	s1 =	srdreg.scid  }
0x8b: {  	s0 =	sand.u32 $0x1, s1  }
0x8c: {  	s17 =	sshll.u32 s0, $0xA;
	s2 =	sadd.s32 s3, s2  }
0x8d: {  	s2 =	sadd.s32 s2, s17  }
0x8e: {  	[smem:$0x3FBC] =	sst s2  }
0x8f: {  	_ = 	snop  }
0x90: {  	s2 =	sld [smem:$0x3FC9]  }
0x91: {  	s18 =	sld [smem:$0x3FC6]  }
0x92: {  	s4 =	sld [smem:$0x3FD0];
	(tm) =	ssettm $0x1  }
0x93: {  	s5 =	sld [smem:$0x3FFB];
	_ =	sdelay $0x3  }
0x94: {  	_ =	strace s5  }
0x95: {  	s5 =	sld [smem:$0x3FFC];
	_ =	sdelay $0x3  }
0x96: {  	_ =	strace s5  }
0x97: {  	s5 =	sld [smem:$0x3FFD];
	_ =	sdelay $0x3  }
0x98: {  	_ =	strace s5  }
0x99: {  	_ =	strace $0x8FFFFFFF  }
0x9a: {  	s19 =	sld [smem:$0x3FDB];
	_ =	sdelay $0x1  }
0x9b: {  	s6 =	simm.s32 $_scs_section_size  }
0x9c: {  	s7 =	simm.s32 $_size__tile_overlayer_lowered;
	s8 =	simm.s32 $_tile_overlayer_lowered  }
0x9d: {  	s22 =	simm.s32 $0x1BFF;
	s21 =	sshll.u32 s8, $0x1;
	s5 =	sadd.s32 s6, s19  }
0x9e: {  	s9 =	simm.s32 $0x0;
	s20 =	sshll.u32 s7, $0x1;
	s7 =	sadd.s32 s21, s5  }
0x9f: {  	[timem:s9], [sflag:s22] =	dma.local [hbm:s7], s20  }
0xa0: {  	_ =	swait.ge [sflag:s22], s20  }
0xa1: {  	s6 =	ssub.s32 $0x0, s20;
	[sflag:s22] =	ssyncset.done $0x0  }
0xa2: {  	[sflag:s22] =	ssyncadd.s32 s6;
	_ =	sdelay $0x1  }
0xa3: {  	s23 =	simm.s32 $0x1B8B  }
0xa4: {  	_ =	swait.ge [sflag:s23], $0x1  }
0xa5: {  	[sflag:s23] =	ssyncset.done $0x0  }
0xa6: {  	s25 =	simm.s32 $0x1B8E;
	s24 =	sld [smem:$0x3FFE];
	[sflag:s23] =	ssyncadd.s32 $0xFFFFFFFF  }
0xa7: {  	s26 =	simm.s32 $execute0_lowered;
	[smem:$0x3FD2] =	sst s25  }
0xa8: {  	s7 =	sshll.u32 s26, $0x1;
	_ =	strace $0x80000046;
	[dreg:$0x1] =	wrdreg $0xFFFFFFFF  }
0xa9: {  	s28 =	simm.s32 $_size_execute0_lowered;
	s5 =	sadd.s32 s5, s7;
	[dreg:$0x0] =	wrdreg $0x0  }
0xaa: {  	s7 =	sshll.u32 s28, $0x1;
	[dreg:$0x2] =	wrdreg s5  }
0xab: {  	[dreg:$0x3] =	wrdreg s7  }
0xac: {  	[dreg:$0x4] =	wrdreg $0xC0  }
0xad: {  	_ =	task [dreg:s9], $0x5FFFF  }
0xae: {  	[dreg:$0x1] =	wrdreg $0xFFFFFFFF  }
0xaf: {  	[dreg:$0x0] =	wrdreg $0x60  }
0xb0: {  	[dreg:$0x2] =	wrdreg s2  }
0xb1: {  	[dreg:$0x3] =	wrdreg s24  }
0xb2: {  	[dreg:$0x4] =	wrdreg s4  }
0xb3: {  	[dreg:$0x5] =	wrdreg s18  }
0xb4: {  	[dreg:$0x6] =	wrdreg $0x0  }
0xb5: {  	[dreg:$0x7] =	wrdreg $0x9  }
0xb6: {  	_ =	task.clear_ibuf [dreg:s9], $0x8FFFF;
	_ =	strace $0x90000046  }
0xb7: {  	s29 =	simm.s32 $0x9;
	_ =	strace $0x80000048  }
0xb8: {  	_ =	swait.ge [sflag:s29], $0x1  }
0xb9: {  	[sflag:s29] =	ssyncadd.s32 $0xFFFFFFFF  }
0xba: {  	_ =	strace $0x90000048  }
0xbb: {  	_ =	sfence  }
0xbc: {  	s30 =	sld [smem:$0x0];
	_ =	sdelay $0x2  }
0xbd: {  	s31 =	sshll.u32 s1, $0xD;
	s1 =	sshrl.u32 s1, $0x2  }
0xbe: {  	s3 =	sand.u32 $0x4000, s31;
	s1 =	sadd.s32 s1, s30  }
0xbf: {  	s0 =	sor.u32 s3, s0;
	s1 =	sshll.u32 s1, $0x11  }
0xc0: {  	s0 =	sor.u32 s1, s0  }
0xc1: {  	s0 =	sadd.s32 $0x8F2B, s0  }
0xc2: {  	[sflag:s0] =	ssyncadd.remote.s32 $0x1  }
0xc3: {  	_ =	sfence.sel $0xFFFF  }
0xc4: {  	[dreg:$0x0] =	wrdreg $0xFFFFFFFF;
	(pc) =	sbr.abs _section_cstart, $3  }
0xc5: {  	[dreg:$0x1] =	wrdreg $0xFFFFFFFF  }
0xc6: {  	_ =	task.clear_ibuf [dreg:s9], $0x2FFFF;
	_ =	strace $0x9FFFFFFF  }
0xc7: {  	(tm) =	ssettm $0x7FFFFFFF  }
tec
execute0_lowered:
.L_overlay_start_1:
0x0: {  	(tag) =	ssettag $0x1  }
0x1: {  	s3 =	rddreg [dreg:$0x0]  }
0x2: {  	s0 =	rddreg [dreg:$0x1]  }
0x3: {  	s7 =	rddreg [dreg:$0x2]  }
0x4: {  	s4 =	rddreg [dreg:$0x3]  }
0x5: {  	s5 =	rddreg [dreg:$0x4]  }
0x6: {  	s1 =	stileid.u32;
	s2 =	simm.s32 $0x0;
	s11 =	srdreg.scid  }
0x7: {  	s8 =	smul.u32 $0x280, s1;
	[smem:$0x7FF] =	sst s2;
	s9 =	sadd.s32 $0x2600, s0  }
0x8: {  	s10 =	sadd.s32 $0x2A00, s0;
	s23 =	sshll.u32 s1, $0x6;
	s29 =	sand.u32 $0x1, s11  }
0x9: {  	s12 =	sshll.u32 s1, $0x8;
	_ =	strace $0x80000047;
	[dreg:$0x6] =	wrdreg s10  }
0xa: {  	s24 =	sor.u32 $0x1C03, s23;
	s11 =	sshll.u32 s29, $0xC;
	s6 =	sshrl.u32 s8, $0x3  }
0xb: {  	[dreg:$0x8] =	wrdreg s24;
	s30 =	sor.u32 s12, s11;
	s6 =	sadd.s32 s6, s0  }
0xc: {  	s11 =	sshrl.u32 s30, $0x3;
	s21 =	rddreg [dreg:$0x8];
	s6 =	sadd.s32 $0x2C00, s6  }
0xd: {  	s14 =	sadd.s32 $0x23600, s0;
	s1 =	sadd.s32 s7, s11;
	[dreg:$0x7] =	wrdreg s6  }
0xe: {  	s16 =	sadd.s32 $0x3200, s0;
	s12 =	sadd.s32 s9, s11;
	[dreg:$0xc] =	wrdreg s1  }
0xf: {  	s31 =	sor.u32 $0x80, s30;
	s17 =	sadd.s32 s14, s11;
	[dreg:$0xd] =	wrdreg s12  }
0x10: {  	s13 =	sshrl.u32 s31, $0x3;
	s18 =	sadd.s32 s16, s11;
	[dreg:$0x10] =	wrdreg s17  }
0x11: {  	s6 =	sadd.s32 s7, s23;
	s7 =	sadd.s32 s7, s13;
	[dreg:$0x11] =	wrdreg s18  }
0x12: {  	s15 =	sadd.s32 s9, s13;
	[dreg:$0xe] =	wrdreg s7  }
0x13: {  	[dreg:$0xf] =	wrdreg s15  }
0x14: {  	s20 =	sadd.s32 s14, s13;
	s19 =	rddreg [dreg:$0x7]  }
0x15: {  	s22 =	sadd.s32 s16, s13;
	[dreg:$0x12] =	wrdreg s20  }
0x16: {  	s10 =	sadd.s32 $0x10, s6;
	[dreg:$0x13] =	wrdreg s22  }
0x17: {  	s25 =	sadd.s32 $0x20, s6;
	[dreg:$0x9] =	wrdreg s10  }
0x18: {  	s8 =	sadd.s32 s8, s5;
	s26 =	sadd.s32 $0x30, s6;
	[dreg:$0xa] =	wrdreg s25  }
0x19: {  	s8 =	sshrl.u32 s8, $0x3;
	s7 =	simm.s32 $0x3;
	[dreg:$0xb] =	wrdreg s26  }
0x1a: {  	[spmem:s8], [sflag:s21] =	dma.local [hbm:s19], $0x50  }
0x1b: {  	_ =	swait.ge [sflag:s7], $0x50  }
0x1c: {  	[sflag:s7] =	ssyncset.done $0x0  }
0x1d: {  	s9 =	simm.s32 $0x480;
	s23 =	rddreg [dreg:$0x6];
	[sflag:s7] =	ssyncadd.s32 $0xFFFFFFB0  }
0x1e: {  	[tilespmem:s9], [sflag:$0x3] =	stream.linear.gather [hbm4b:s23+s2], $0x80, $0x38;
	[tilespmem:$0x8A00] =	vst v63  }
0x1f: {  	_ =	swait.ge [sflag:s7], $0x80  }
0x20: {  	[sflag:s7] =	ssyncset.done $0x0  }
0x21: {  	[sflag:s7] =	ssyncadd.s32 $0xFFFFFF80  }
0x22: {  	s10 =	simm.s32 $0x280;
	[bflag:$0x0] =	sbarrier.arrive $0xFFFF  }
0x23: {  	[tilespmem:s10], [sflag:$0x3] =	stream.linear.gather [hbm4b:s6+s2], $0x80, $0x38;
	[tilespmem:$0x8A00] =	vst v63  }
0x24: {  	_ =	swait.ge [sflag:s7], $0x80  }
0x25: {  	[sflag:s7] =	ssyncset.done $0x0  }
0x26: {  	s11 =	simm.s32 $0x300;
	s24 =	rddreg [dreg:$0x9];
	[sflag:s7] =	ssyncadd.s32 $0xFFFFFF80  }
0x27: {  	[tilespmem:s11], [sflag:$0x3] =	stream.linear.gather [hbm4b:s24+s2], $0x80, $0x38;
	[tilespmem:$0x8A00] =	vst v63  }
0x28: {  	_ =	swait.ge [sflag:s7], $0x80  }
0x29: {  	[sflag:s7] =	ssyncset.done $0x0  }
0x2a: {  	s12 =	simm.s32 $0x380;
	s13 =	rddreg [dreg:$0xa];
	[sflag:s7] =	ssyncadd.s32 $0xFFFFFF80  }
0x2b: {  	[tilespmem:s12], [sflag:$0x3] =	stream.linear.gather [hbm4b:s13+s2], $0x80, $0x38;
	[tilespmem:$0x8A00] =	vst v63  }
0x2c: {  	_ =	swait.ge [sflag:s7], $0x80  }
0x2d: {  	[sflag:s7] =	ssyncset.done $0x0  }
0x2e: {  	s13 =	simm.s32 $0x400;
	s14 =	rddreg [dreg:$0xb];
	[sflag:s7] =	ssyncadd.s32 $0xFFFFFF80  }
0x2f: {  	[tilespmem:s13], [sflag:$0x3] =	stream.linear.gather [hbm4b:s14+s2], $0x80, $0x38;
	[tilespmem:$0x8A00] =	vst v63  }
0x30: {  	_ =	swait.ge [sflag:s7], $0x80  }
0x31: {  	[sflag:s7] =	ssyncset.done $0x0  }
0x32: {  	s14 =	simm.s32 $0x80;
	[sflag:s7] =	ssyncadd.s32 $0xFFFFFF80  }
0x33: {  	[spmem:s5] =	stream.indirect.scatter.add.f32 [tilespmem:s9], [sflag:$0x3], $0x1, s10, s14, $0xb8;
	[tilespmem:$0x8A00] =	vst v63  }
0x34: {  	_ =	swait.ge [sflag:s7], $0x80  }
0x35: {  	[sflag:s7] =	ssyncset.done $0x0  }
0x36: {  	[sflag:s7] =	ssyncadd.s32 $0xFFFFFF80  }
0x37: {  	[spmem:s5] =	stream.indirect.scatter.add.f32 [tilespmem:s9], [sflag:$0x3], $0x1, s11, s14, $0xb8;
	[tilespmem:$0x8A00] =	vst v63  }
0x38: {  	_ =	swait.ge [sflag:s7], $0x80  }
0x39: {  	[sflag:s7] =	ssyncset.done $0x0  }
0x3a: {  	[sflag:s7] =	ssyncadd.s32 $0xFFFFFF80  }
0x3b: {  	[spmem:s5] =	stream.indirect.scatter.add.f32 [tilespmem:s9], [sflag:$0x3], $0x1, s12, s14, $0xb8;
	[tilespmem:$0x8A00] =	vst v63  }
0x3c: {  	_ =	swait.ge [sflag:s7], $0x80  }
0x3d: {  	[sflag:s7] =	ssyncset.done $0x0  }
0x3e: {  	[sflag:s7] =	ssyncadd.s32 $0xFFFFFF80  }
0x3f: {  	[spmem:s5] =	stream.indirect.scatter.add.f32 [tilespmem:s9], [sflag:$0x3], $0x1, s13, s14, $0xb8;
	[tilespmem:$0x8A00] =	vst v63  }
0x40: {  	_ =	swait.ge [sflag:s7], $0x80  }
0x41: {  	[sflag:s7] =	ssyncset.done $0x0  }
0x42: {  	[sflag:s7] =	ssyncadd.s32 $0xFFFFFF80  }
0x43: {  	[bflag:$0x0] =	sbarrier.arrive $0xFFFF  }
0x44: {  	s15 =	simm.s32 $0x500;
	s16 =	rddreg [dreg:$0xc]  }
0x45: {  	[tilespmem:s15], [sflag:$0x3] =	stream.linear.gather [hbm4b:s16+s2], $0x80, $0x38;
	[tilespmem:$0x8A00] =	vst v63  }
0x46: {  	_ =	swait.ge [sflag:s7], $0x80  }
0x47: {  	[sflag:s7] =	ssyncset.done $0x0  }
0x48: {  	s16 =	simm.s32 $0x600;
	s17 =	rddreg [dreg:$0xd];
	[sflag:s7] =	ssyncadd.s32 $0xFFFFFF80  }
0x49: {  	[tilespmem:s16], [sflag:$0x3] =	stream.linear.gather [hbm4b:s17+s2], $0x80, $0x38;
	[tilespmem:$0x8A00] =	vst v63  }
0x4a: {  	_ =	swait.ge [sflag:s7], $0x80  }
0x4b: {  	[sflag:s7] =	ssyncset.done $0x0  }
0x4c: {  	s17 =	simm.s32 $0x580;
	s18 =	rddreg [dreg:$0xe];
	[sflag:s7] =	ssyncadd.s32 $0xFFFFFF80  }
0x4d: {  	[tilespmem:s17], [sflag:$0x3] =	stream.linear.gather [hbm4b:s18+s2], $0x80, $0x38;
	[tilespmem:$0x8A00] =	vst v63  }
0x4e: {  	_ =	swait.ge [sflag:s7], $0x80  }
0x4f: {  	[sflag:s7] =	ssyncset.done $0x0  }
0x50: {  	s20 =	simm.s32 $0x680;
	s25 =	rddreg [dreg:$0xf];
	[sflag:s7] =	ssyncadd.s32 $0xFFFFFF80  }
0x51: {  	[tilespmem:s20], [sflag:$0x3] =	stream.linear.gather [hbm4b:s25+s2], $0x80, $0x38;
	[tilespmem:$0x8A00] =	vst v63  }
0x52: {  	_ =	swait.ge [sflag:s7], $0x80  }
0x53: {  	[sflag:s7] =	ssyncset.done $0x0  }
0x54: {  	s19 =	simm.s32 $0xA00;
	[sflag:s7] =	ssyncadd.s32 $0xFFFFFF80  }
0x55: {  	[tilespmem:s19], [sflag:$0x2] =	stream.indirect.gather [hbm4b:s3+s14], $0x80, s16, s14, $0xb8;
	[tilespmem:$0x8A00] =	vst v63  }
0x56: {  	s18 =	simm.s32 $0x4A00  }
0x57: {  	[tilespmem:s18], [sflag:$0x2] =	stream.indirect.gather [hbm4b:s3+s14], $0x80, s20, s14, $0xb8;
	[tilespmem:$0x8A00] =	vst v63  }
0x58: {  	s22 =	simm.s32 $0x1;
	s26 =	simm.s32 $0x700  }
0x59: {  	[tilespmem:s26], [sflag:$0x1] =	stream.indirect.gather [spmem:s5], $0x1, s15, s14, $0xb8;
	[tilespmem:$0x8A00] =	vst v63  }
0x5a: {  	_ =	swait.ge [sflag:s22], $0x80  }
0x5b: {  	[sflag:s22] =	ssyncset.done $0x0  }
0x5c: {  	s23 =	simm.s32 $0x900;
	[sflag:s22] =	ssyncadd.s32 $0xFFFFFF80  }
0x5d: {  	[tilespmem:s23], [sflag:$0x1] =	stream.indirect.gather [hbm4b:s4+s14], $0x1, s15, s14, $0xb8;
	[tilespmem:$0x8A00] =	vst v63  }
0x5e: {  	_ =	swait.ge [sflag:s22], $0x80  }
0x5f: {  	[sflag:s22] =	ssyncset.done $0x0  }
0x60: {  	s24 =	simm.s32 $0x780;
	[sflag:s22] =	ssyncadd.s32 $0xFFFFFF80  }
0x61: {  	[tilespmem:s24], [sflag:$0x1] =	stream.indirect.gather [spmem:s5], $0x1, s17, s14, $0xb8;
	[tilespmem:$0x8A00] =	vst v63  }
0x62: {  	_ =	swait.ge [sflag:s22], $0x80  }
0x63: {  	[sflag:s22] =	ssyncset.done $0x0  }
0x64: {  	s25 =	simm.s32 $0x980;
	[sflag:s22] =	ssyncadd.s32 $0xFFFFFF80  }
0x65: {  	[tilespmem:s25], [sflag:$0x1] =	stream.indirect.gather [hbm4b:s4+s14], $0x1, s17, s14, $0xb8;
	[tilespmem:$0x8A00] =	vst v63  }
0x66: {  	_ =	swait.ge [sflag:s22], $0x80  }
0x67: {  	[sflag:s22] =	ssyncset.done $0x0  }
0x68: {  	[sflag:s22] =	ssyncadd.s32 $0xFFFFFF80  }
0x69: {  	v0 =	vld [tilespmem:$0x7F0]  }
0x6a: {  	v1 =	vld [tilespmem:$0x730]  }
0x6b: {  	v2 =	vld [tilespmem:$0x7D0]  }
0x6c: {  	v3 =	vld [tilespmem:$0x7B0]  }
0x6d: {  	v4 =	vld [tilespmem:$0x7A0]  }
0x6e: {  	v5 =	vld [tilespmem:$0x790];
	v0 =	vmax.f32 v0, $1.000000000e+00  }
0x6f: {  	v6 =	vld [tilespmem:$0x780];
	v1 =	vmax.f32 v1, $1.000000000e+00;
	(erf) = vrcp.f32 v0  }
0x70: {  	v35 =	vld [tilespmem:$0x770];
	v2 =	vmax.f32 v2, $1.000000000e+00;
	(erf) = vrcp.f32 v1  }
0x71: {  	v36 =	vld [tilespmem:$0x760];
	v3 =	vmax.f32 v3, $1.000000000e+00;
	(erf) = vrcp.f32 v2  }
0x72: {  	v37 =	vld [tilespmem:$0x750];
	v4 =	vmax.f32 v4, $1.000000000e+00;
	(erf) = vrcp.f32 v3  }
0x73: {  	v38 =	vld [tilespmem:$0x740];
	v5 =	vmax.f32 v5, $1.000000000e+00;
	(erf) = vrcp.f32 v4  }
0x74: {  	v40 =	vld [tilespmem:$0x7C0];
	v39 =	vmax.f32 v6, $1.000000000e+00;
	(erf) = vrcp.f32 v5  }
0x75: {  	v41 =	vld [tilespmem:$0x720];
	v0 =	vmax.f32 v35, $1.000000000e+00;
	(erf) = vrcp.f32 v39  }
0x76: {  	v42 =	vld [tilespmem:$0x710];
	v1 =	vmax.f32 v36, $1.000000000e+00;
	(erf) = vrcp.f32 v0  }
0x77: {  	v44 =	vld [tilespmem:$0x7E0];
	v43 =	vmax.f32 v37, $1.000000000e+00;
	(erf) = vrcp.f32 v1  }
0x78: {  	v45 =	vld [tilespmem:$0x700];
	v3 =	vmax.f32 v38, $1.000000000e+00;
	(erf) = vrcp.f32 v43;
	v46 =	vpop (erf)  }
0x79: {  	v6 =	vmax.f32 v40, $1.000000000e+00;
	[tilespmem:$0x8F0] =	vst v46;
	v47 =	vpop (erf);
	(erf) = vrcp.f32 v3  }
0x7a: {  	v48 =	vmax.f32 v41, $1.000000000e+00;
	[tilespmem:$0x830] =	vst v47;
	(erf) = vrcp.f32 v6;
	v49 =	vpop (erf)  }
0x7b: {  	v4 =	vmax.f32 v42, $1.000000000e+00;
	[tilespmem:$0x8D0] =	vst v49;
	(erf) = vrcp.f32 v48;
	v50 =	vpop (erf)  }
0x7c: {  	v51 =	vmax.f32 v44, $1.000000000e+00;
	[tilespmem:$0x8B0] =	vst v50;
	(erf) = vrcp.f32 v4;
	v52 =	vpop (erf)  }
0x7d: {  	v1 =	vmax.f32 v45, $1.000000000e+00;
	[tilespmem:$0x8A0] =	vst v52;
	v53 =	vpop (erf);
	(erf) = vrcp.f32 v51  }
0x7e: {  	[tilespmem:$0x890] =	vst v53;
	(erf) = vrcp.f32 v1;
	v54 =	vpop (erf)  }
0x7f: {  	[tilespmem:$0x880] =	vst v54;
	v55 =	vpop (erf)  }
0x80: {  	[tilespmem:$0x870] =	vst v55;
	v56 =	vpop (erf)  }
0x81: {  	[tilespmem:$0x860] =	vst v56;
	v57 =	vpop (erf)  }
0x82: {  	[tilespmem:$0x850] =	vst v57;
	v58 =	vpop (erf)  }
0x83: {  	[tilespmem:$0x840] =	vst v58;
	v59 =	vpop (erf)  }
0x84: {  	[tilespmem:$0x8C0] =	vst v59;
	v60 =	vpop (erf)  }
0x85: {  	[tilespmem:$0x820] =	vst v60;
	v61 =	vpop (erf)  }
0x86: {  	[tilespmem:$0x810] =	vst v61;
	v62 =	vpop (erf)  }
0x87: {  	[tilespmem:$0x8E0] =	vst v62;
	v63 =	vpop (erf)  }
0x88: {  	s26 =	simm.s32 $0x800;
	s28 =	rddreg [dreg:$0x10];
	[tilespmem:$0x800] =	vst v63  }
0x89: {  	[hbm4b:s28+s2] =	stream.linear.scatter [tilespmem:s26], [sflag:$0x3], $0x80, $0x38;
	[tilespmem:$0x8A00] =	vst v63  }
0x8a: {  	_ =	swait.ge [sflag:s7], $0x80  }
0x8b: {  	[sflag:s7] =	ssyncset.done $0x0  }
0x8c: {  	s28 =	rddreg [dreg:$0x11];
	[sflag:s7] =	ssyncadd.s32 $0xFFFFFF80  }
0x8d: {  	[hbm4b:s28+s2] =	stream.linear.scatter [tilespmem:s23], [sflag:$0x3], $0x80, $0x38;
	[tilespmem:$0x8A00] =	vst v63  }
0x8e: {  	_ =	swait.ge [sflag:s7], $0x80  }
0x8f: {  	[sflag:s7] =	ssyncset.done $0x0  }
0x90: {  	s28 =	simm.s32 $0x880;
	s21 =	rddreg [dreg:$0x12];
	[sflag:s7] =	ssyncadd.s32 $0xFFFFFF80  }
0x91: {  	[hbm4b:s21+s2] =	stream.linear.scatter [tilespmem:s28], [sflag:$0x3], $0x80, $0x38;
	[tilespmem:$0x8A00] =	vst v63  }
0x92: {  	_ =	swait.ge [sflag:s7], $0x80  }
0x93: {  	[sflag:s7] =	ssyncset.done $0x0  }
0x94: {  	s21 =	rddreg [dreg:$0x13];
	[sflag:s7] =	ssyncadd.s32 $0xFFFFFF80  }
0x95: {  	[hbm4b:s21+s2] =	stream.linear.scatter [tilespmem:s25], [sflag:$0x3], $0x80, $0x38;
	[tilespmem:$0x8A00] =	vst v63  }
0x96: {  	s21 =	ssub.s32 $0x2, s29  }
0x97: {  	s29 =	sshrl.u32 s21, $0x1  }
0x98: {  	s1 =	ssub.s32 s21, s29  }
0x99: {  	s1 =	smax.u32 s1, $0x1  }
0x9a: {  	p0 =	sne.s32 s1, $0x1  }
.Ltmp0:
0x9b: {  	_ = 	snop;
	(pc) =	sbr.rel @!p0 .LBB2_2-.Ltmp0, $4  }
0x9c: {  	_ = 	snop  }
0x9d: {  	s0 =	sadd.s32 $0x3600, s0;
	s29 =	sshll.u32 s30, $0x4  }
0x9e: {  	s31 =	sshll.u32 s31, $0x4;
	_ =	swait.ge [sflag:s7], $0x80;
	s30 =	sadd.s32 s0, s29  }
0x9f: {  	s29 =	sadd.s32 s0, s31;
	s31 =	simm.s32 $0x2;
	s0 =	sadd.s32 $0xFFFFFFFF, s1  }
.LBB2_1:
0xa0: {  	[sflag:s7] =	ssyncset.done $0x0  }
0xa1: {  	[sflag:s7] =	ssyncadd.s32 $0xFFFFFF80  }
0xa2: {  	_ =	swait.ge [sflag:s31], $0x4000  }
0xa3: {  	[sflag:s31] =	ssyncset.done $0x0  }
0xa4: {  	[sflag:s31] =	ssyncadd.s32 $0xFFFFC000  }
0xa5: {  	_ =	swait.ge [sflag:s31], $0x4000  }
0xa6: {  	[sflag:s31] =	ssyncset.done $0x0  }
0xa7: {  	[sflag:s31] =	ssyncadd.s32 $0xFFFFC000  }
0xa8: {  	[hbm4b:s30+s2] =	stream.linear.scatter [tilespmem:s19], [sflag:$0x3], $0x4000, $0x38;
	[tilespmem:$0x8A00] =	vst v63  }
0xa9: {  	_ =	swait.ge [sflag:s7], $0x4000  }
0xaa: {  	[sflag:s7] =	ssyncset.done $0x0  }
0xab: {  	[sflag:s7] =	ssyncadd.s32 $0xFFFFC000  }
0xac: {  	[hbm4b:s29+s2] =	stream.linear.scatter [tilespmem:s18], [sflag:$0x3], $0x4000, $0x38;
	[tilespmem:$0x8A00] =	vst v63  }
0xad: {  	_ =	swait.ge [sflag:s7], $0x4000  }
0xae: {  	s1 =	rddreg [dreg:$0x7];
	[sflag:s7] =	ssyncset.done $0x0  }
0xaf: {  	s21 =	rddreg [dreg:$0x8];
	[sflag:s7] =	ssyncadd.s32 $0xFFFFC000  }
0xb0: {  	[spmem:s8], [sflag:s21] =	dma.local [hbm:s1], $0x50  }
0xb1: {  	_ =	swait.ge [sflag:s7], $0x50  }
0xb2: {  	[sflag:s7] =	ssyncset.done $0x0  }
0xb3: {  	s21 =	rddreg [dreg:$0x6];
	[sflag:s7] =	ssyncadd.s32 $0xFFFFFFB0  }
0xb4: {  	[tilespmem:s9], [sflag:$0x3] =	stream.linear.gather [hbm4b:s21+s2], $0x80, $0x38;
	[tilespmem:$0x8A00] =	vst v63  }
0xb5: {  	_ =	swait.ge [sflag:s7], $0x80  }
0xb6: {  	[sflag:s7] =	ssyncset.done $0x0  }
0xb7: {  	[sflag:s7] =	ssyncadd.s32 $0xFFFFFF80  }
0xb8: {  	[bflag:$0x0] =	sbarrier.arrive $0xFFFF  }
0xb9: {  	[tilespmem:s10], [sflag:$0x3] =	stream.linear.gather [hbm4b:s6+s2], $0x80, $0x38;
	[tilespmem:$0x8A00] =	vst v63  }
0xba: {  	_ =	swait.ge [sflag:s7], $0x80  }
0xbb: {  	[sflag:s7] =	ssyncset.done $0x0  }
0xbc: {  	s21 =	rddreg [dreg:$0x9];
	[sflag:s7] =	ssyncadd.s32 $0xFFFFFF80  }
0xbd: {  	[tilespmem:s11], [sflag:$0x3] =	stream.linear.gather [hbm4b:s21+s2], $0x80, $0x38;
	[tilespmem:$0x8A00] =	vst v63  }
0xbe: {  	_ =	swait.ge [sflag:s7], $0x80  }
0xbf: {  	[sflag:s7] =	ssyncset.done $0x0  }
0xc0: {  	s21 =	rddreg [dreg:$0xa];
	[sflag:s7] =	ssyncadd.s32 $0xFFFFFF80  }
0xc1: {  	[tilespmem:s12], [sflag:$0x3] =	stream.linear.gather [hbm4b:s21+s2], $0x80, $0x38;
	[tilespmem:$0x8A00] =	vst v63  }
0xc2: {  	_ =	swait.ge [sflag:s7], $0x80  }
0xc3: {  	[sflag:s7] =	ssyncset.done $0x0  }
0xc4: {  	s21 =	rddreg [dreg:$0xb];
	[sflag:s7] =	ssyncadd.s32 $0xFFFFFF80  }
0xc5: {  	[tilespmem:s13], [sflag:$0x3] =	stream.linear.gather [hbm4b:s21+s2], $0x80, $0x38;
	[tilespmem:$0x8A00] =	vst v63  }
0xc6: {  	_ =	swait.ge [sflag:s7], $0x80  }
0xc7: {  	[sflag:s7] =	ssyncset.done $0x0  }
0xc8: {  	[sflag:s7] =	ssyncadd.s32 $0xFFFFFF80  }
0xc9: {  	[spmem:s5] =	stream.indirect.scatter.add.f32 [tilespmem:s9], [sflag:$0x3], $0x1, s10, s14, $0xb8;
	[tilespmem:$0x8A00] =	vst v63  }
0xca: {  	_ =	swait.ge [sflag:s7], $0x80  }
0xcb: {  	[sflag:s7] =	ssyncset.done $0x0  }
0xcc: {  	[sflag:s7] =	ssyncadd.s32 $0xFFFFFF80  }
0xcd: {  	[spmem:s5] =	stream.indirect.scatter.add.f32 [tilespmem:s9], [sflag:$0x3], $0x1, s11, s14, $0xb8;
	[tilespmem:$0x8A00] =	vst v63  }
0xce: {  	_ =	swait.ge [sflag:s7], $0x80  }
0xcf: {  	[sflag:s7] =	ssyncset.done $0x0  }
0xd0: {  	[sflag:s7] =	ssyncadd.s32 $0xFFFFFF80  }
0xd1: {  	[spmem:s5] =	stream.indirect.scatter.add.f32 [tilespmem:s9], [sflag:$0x3], $0x1, s12, s14, $0xb8;
	[tilespmem:$0x8A00] =	vst v63  }
0xd2: {  	_ =	swait.ge [sflag:s7], $0x80  }
0xd3: {  	[sflag:s7] =	ssyncset.done $0x0  }
0xd4: {  	[sflag:s7] =	ssyncadd.s32 $0xFFFFFF80  }
0xd5: {  	[spmem:s5] =	stream.indirect.scatter.add.f32 [tilespmem:s9], [sflag:$0x3], $0x1, s13, s14, $0xb8;
	[tilespmem:$0x8A00] =	vst v63  }
0xd6: {  	_ =	swait.ge [sflag:s7], $0x80  }
0xd7: {  	[sflag:s7] =	ssyncset.done $0x0  }
0xd8: {  	[sflag:s7] =	ssyncadd.s32 $0xFFFFFF80  }
0xd9: {  	[bflag:$0x0] =	sbarrier.arrive $0xFFFF  }
0xda: {  	s21 =	rddreg [dreg:$0xc]  }
0xdb: {  	[tilespmem:s15], [sflag:$0x3] =	stream.linear.gather [hbm4b:s21+s2], $0x80, $0x38;
	[tilespmem:$0x8A00] =	vst v63  }
0xdc: {  	_ =	swait.ge [sflag:s7], $0x80  }
0xdd: {  	[sflag:s7] =	ssyncset.done $0x0  }
0xde: {  	s21 =	rddreg [dreg:$0xd];
	[sflag:s7] =	ssyncadd.s32 $0xFFFFFF80  }
0xdf: {  	[tilespmem:s16], [sflag:$0x3] =	stream.linear.gather [hbm4b:s21+s2], $0x80, $0x38;
	[tilespmem:$0x8A00] =	vst v63  }
0xe0: {  	_ =	swait.ge [sflag:s7], $0x80  }
0xe1: {  	[sflag:s7] =	ssyncset.done $0x0  }
0xe2: {  	s21 =	rddreg [dreg:$0xe];
	[sflag:s7] =	ssyncadd.s32 $0xFFFFFF80  }
0xe3: {  	[tilespmem:s17], [sflag:$0x3] =	stream.linear.gather [hbm4b:s21+s2], $0x80, $0x38;
	[tilespmem:$0x8A00] =	vst v63  }
0xe4: {  	_ =	swait.ge [sflag:s7], $0x80  }
0xe5: {  	[sflag:s7] =	ssyncset.done $0x0  }
0xe6: {  	s21 =	rddreg [dreg:$0xf];
	[sflag:s7] =	ssyncadd.s32 $0xFFFFFF80  }
0xe7: {  	[tilespmem:s20], [sflag:$0x3] =	stream.linear.gather [hbm4b:s21+s2], $0x80, $0x38;
	[tilespmem:$0x8A00] =	vst v63  }
0xe8: {  	_ =	swait.ge [sflag:s7], $0x80  }
0xe9: {  	[sflag:s7] =	ssyncset.done $0x0  }
0xea: {  	[sflag:s7] =	ssyncadd.s32 $0xFFFFFF80  }
0xeb: {  	[tilespmem:s19], [sflag:$0x2] =	stream.indirect.gather [hbm4b:s3+s14], $0x80, s16, s14, $0xb8;
	[tilespmem:$0x8A00] =	vst v63  }
0xec: {  	_ = 	snop  }
0xed: {  	[tilespmem:s18], [sflag:$0x2] =	stream.indirect.gather [hbm4b:s3+s14], $0x80, s20, s14, $0xb8;
	[tilespmem:$0x8A00] =	vst v63  }
0xee: {  	s21 =	simm.s32 $0x700  }
0xef: {  	[tilespmem:s21], [sflag:$0x1] =	stream.indirect.gather [spmem:s5], $0x1, s15, s14, $0xb8;
	[tilespmem:$0x8A00] =	vst v63  }
0xf0: {  	_ =	swait.ge [sflag:s22], $0x80  }
0xf1: {  	[sflag:s22] =	ssyncset.done $0x0  }
0xf2: {  	[sflag:s22] =	ssyncadd.s32 $0xFFFFFF80  }
0xf3: {  	[tilespmem:s23], [sflag:$0x1] =	stream.indirect.gather [hbm4b:s4+s14], $0x1, s15, s14, $0xb8;
	[tilespmem:$0x8A00] =	vst v63  }
0xf4: {  	_ =	swait.ge [sflag:s22], $0x80  }
0xf5: {  	[sflag:s22] =	ssyncset.done $0x0  }
0xf6: {  	[sflag:s22] =	ssyncadd.s32 $0xFFFFFF80  }
0xf7: {  	[tilespmem:s24], [sflag:$0x1] =	stream.indirect.gather [spmem:s5], $0x1, s17, s14, $0xb8;
	[tilespmem:$0x8A00] =	vst v63  }
0xf8: {  	_ =	swait.ge [sflag:s22], $0x80  }
0xf9: {  	[sflag:s22] =	ssyncset.done $0x0  }
0xfa: {  	[sflag:s22] =	ssyncadd.s32 $0xFFFFFF80  }
0xfb: {  	[tilespmem:s25], [sflag:$0x1] =	stream.indirect.gather [hbm4b:s4+s14], $0x1, s17, s14, $0xb8;
	[tilespmem:$0x8A00] =	vst v63  }
0xfc: {  	_ =	swait.ge [sflag:s22], $0x80  }
0xfd: {  	[sflag:s22] =	ssyncset.done $0x0  }
0xfe: {  	[sflag:s22] =	ssyncadd.s32 $0xFFFFFF80  }
0xff: {  	v0 =	vld [tilespmem:$0x7F0]  }
0x100: {  	v1 =	vld [tilespmem:$0x730]  }
0x101: {  	v2 =	vld [tilespmem:$0x7D0]  }
0x102: {  	v3 =	vld [tilespmem:$0x7B0]  }
0x103: {  	v4 =	vld [tilespmem:$0x7A0]  }
0x104: {  	v5 =	vld [tilespmem:$0x790];
	v0 =	vmax.f32 v0, $1.000000000e+00  }
0x105: {  	v6 =	vld [tilespmem:$0x780];
	v1 =	vmax.f32 v1, $1.000000000e+00;
	(erf) = vrcp.f32 v0  }
0x106: {  	v36 =	vld [tilespmem:$0x770];
	v2 =	vmax.f32 v2, $1.000000000e+00;
	(erf) = vrcp.f32 v1  }
0x107: {  	v37 =	vld [tilespmem:$0x760];
	v3 =	vmax.f32 v3, $1.000000000e+00;
	(erf) = vrcp.f32 v2  }
0x108: {  	v38 =	vld [tilespmem:$0x750];
	v4 =	vmax.f32 v4, $1.000000000e+00;
	(erf) = vrcp.f32 v3  }
0x109: {  	v39 =	vld [tilespmem:$0x740];
	v5 =	vmax.f32 v5, $1.000000000e+00;
	(erf) = vrcp.f32 v4  }
0x10a: {  	v41 =	vld [tilespmem:$0x7C0];
	v40 =	vmax.f32 v6, $1.000000000e+00;
	(erf) = vrcp.f32 v5  }
0x10b: {  	v42 =	vld [tilespmem:$0x720];
	v0 =	vmax.f32 v36, $1.000000000e+00;
	(erf) = vrcp.f32 v40  }
0x10c: {  	v43 =	vld [tilespmem:$0x710];
	v1 =	vmax.f32 v37, $1.000000000e+00;
	(erf) = vrcp.f32 v0  }
0x10d: {  	v44 =	vld [tilespmem:$0x7E0];
	v7 =	vmax.f32 v38, $1.000000000e+00;
	(erf) = vrcp.f32 v1  }
0x10e: {  	v45 =	vld [tilespmem:$0x700];
	v3 =	vmax.f32 v39, $1.000000000e+00;
	(erf) = vrcp.f32 v7;
	v46 =	vpop (erf)  }
0x10f: {  	v6 =	vmax.f32 v41, $1.000000000e+00;
	[tilespmem:$0x8F0] =	vst v46;
	v47 =	vpop (erf);
	(erf) = vrcp.f32 v3  }
0x110: {  	v48 =	vmax.f32 v42, $1.000000000e+00;
	[tilespmem:$0x830] =	vst v47;
	(erf) = vrcp.f32 v6;
	v49 =	vpop (erf)  }
0x111: {  	v4 =	vmax.f32 v43, $1.000000000e+00;
	[tilespmem:$0x8D0] =	vst v49;
	(erf) = vrcp.f32 v48;
	v50 =	vpop (erf)  }
0x112: {  	v51 =	vmax.f32 v44, $1.000000000e+00;
	[tilespmem:$0x8B0] =	vst v50;
	(erf) = vrcp.f32 v4;
	v52 =	vpop (erf)  }
0x113: {  	v1 =	vmax.f32 v45, $1.000000000e+00;
	[tilespmem:$0x8A0] =	vst v52;
	v53 =	vpop (erf);
	(erf) = vrcp.f32 v51  }
0x114: {  	[tilespmem:$0x890] =	vst v53;
	(erf) = vrcp.f32 v1;
	v54 =	vpop (erf)  }
0x115: {  	[tilespmem:$0x880] =	vst v54;
	v55 =	vpop (erf)  }
0x116: {  	[tilespmem:$0x870] =	vst v55;
	v56 =	vpop (erf)  }
0x117: {  	[tilespmem:$0x860] =	vst v56;
	v57 =	vpop (erf)  }
0x118: {  	[tilespmem:$0x850] =	vst v57;
	v58 =	vpop (erf)  }
0x119: {  	[tilespmem:$0x840] =	vst v58;
	v59 =	vpop (erf)  }
0x11a: {  	[tilespmem:$0x8C0] =	vst v59;
	v60 =	vpop (erf)  }
0x11b: {  	[tilespmem:$0x820] =	vst v60;
	v61 =	vpop (erf)  }
0x11c: {  	[tilespmem:$0x810] =	vst v61;
	v62 =	vpop (erf)  }
0x11d: {  	[tilespmem:$0x8E0] =	vst v62;
	v63 =	vpop (erf)  }
0x11e: {  	s21 =	rddreg [dreg:$0x10];
	[tilespmem:$0x800] =	vst v63  }
0x11f: {  	[hbm4b:s21+s2] =	stream.linear.scatter [tilespmem:s26], [sflag:$0x3], $0x80, $0x38;
	[tilespmem:$0x8A00] =	vst v63  }
0x120: {  	_ =	swait.ge [sflag:s7], $0x80  }
0x121: {  	[sflag:s7] =	ssyncset.done $0x0  }
0x122: {  	s21 =	rddreg [dreg:$0x11];
	[sflag:s7] =	ssyncadd.s32 $0xFFFFFF80  }
0x123: {  	[hbm4b:s21+s2] =	stream.linear.scatter [tilespmem:s23], [sflag:$0x3], $0x80, $0x38;
	[tilespmem:$0x8A00] =	vst v63  }
0x124: {  	_ =	swait.ge [sflag:s7], $0x80  }
0x125: {  	[sflag:s7] =	ssyncset.done $0x0  }
0x126: {  	p0 =	sne.s32 s0, $0x1;
	s21 =	rddreg [dreg:$0x12];
	[sflag:s7] =	ssyncadd.s32 $0xFFFFFF80  }
0x127: {  	[hbm4b:s21+s2] =	stream.linear.scatter [tilespmem:s28], [sflag:$0x3], $0x80, $0x38;
	[tilespmem:$0x8A00] =	vst v63  }
.Ltmp1:
0x128: {  	_ =	swait.ge [sflag:s7], $0x80;
	(pc) =	sbr.rel @p0 .LBB2_1-.Ltmp1, $4  }
0x129: {  	[sflag:s7] =	ssyncset.done $0x0  }
0x12a: {  	s21 =	rddreg [dreg:$0x13];
	[sflag:s7] =	ssyncadd.s32 $0xFFFFFF80  }
0x12b: {  	[hbm4b:s21+s2] =	stream.linear.scatter [tilespmem:s25], [sflag:$0x3], $0x80, $0x38;
	[tilespmem:$0x8A00] =	vst v63  }
0x12c: {  	s0 =	sadd.s32 $0xFFFFFFFF, s0;
	_ =	swait.ge [sflag:s7], $0x80  }
.LBB2_2:
0x12d: {  	[sflag:s7] =	ssyncset.done $0x0  }
0x12e: {  	[sflag:s7] =	ssyncadd.s32 $0xFFFFFF80  }
0x12f: {  	_ =	swait.ge [sflag:s31], $0x4000  }
0x130: {  	[sflag:s31] =	ssyncset.done $0x0  }
0x131: {  	[sflag:s31] =	ssyncadd.s32 $0xFFFFC000  }
0x132: {  	_ =	swait.ge [sflag:s31], $0x4000  }
0x133: {  	[sflag:s31] =	ssyncset.done $0x0  }
0x134: {  	[sflag:s31] =	ssyncadd.s32 $0xFFFFC000  }
0x135: {  	[hbm4b:s30+s2] =	stream.linear.scatter [tilespmem:s19], [sflag:$0x3], $0x4000, $0x38;
	[tilespmem:$0x8A00] =	vst v63  }
0x136: {  	_ =	swait.ge [sflag:s7], $0x4000  }
0x137: {  	[sflag:s7] =	ssyncset.done $0x0  }
0x138: {  	[sflag:s7] =	ssyncadd.s32 $0xFFFFC000  }
0x139: {  	[hbm4b:s29+s2] =	stream.linear.scatter [tilespmem:s18], [sflag:$0x3], $0x4000, $0x38;
	[tilespmem:$0x8A00] =	vst v63  }
0x13a: {  	_ =	swait.ge [sflag:s7], $0x4000  }
0x13b: {  	[sflag:s7] =	ssyncset.done $0x0  }
0x13c: {  	[sflag:s7] =	ssyncadd.s32 $0xFFFFC000  }
0x13d: {  	_ =	sfence.sel $0x180000  }
0x13e: {  	[bflag:$0x0] =	sbarrier.arrive $0xFFFF  }
0x13f: {  	_ =	strace $0x90000047  }
0x140: {  	s0 =	stileid.u32;
	[bflag:$0x2] =	sbarrier.arrive $0xFFFF  }
0x141: {  	p0 =	sne.s32 s0, $0x0;
	s0 =	rddreg [dreg:$0x5]  }
0x142: {  	s0 =	sadd.s32 @!p0 $0x100000, s0  }
0x143: {  	[sflag:s0] =	ssyncadd.tile.s32 @!p0 $0x1;
	_ =	shalt  }
.Lfunc_end2:
_tile_overlayer_lowered:
.L_overlay_start_2:
0x144: {  	(tag) =	ssettag $0x2  }
0x145: {  	s0 =	rddreg [dreg:$0x0];
	s2 =	stileid.u32  }
0x146: {  	s1 =	rddreg [dreg:$0x1];
	p0 =	sne.s32 s2, $0x0  }
0x147: {  	s3 =	rddreg [dreg:$0x2];
	[bflag:$0x3] =	sbarrier.arrive $0xFFFF;
	s2 =	simm.s32 @!p0 $0x1C03  }
0x148: {  	[timem:s3], [sflag:s2] =	dma.local @!p0 [hbm:s0], s1  }
0x149: {  	s0 =	simm.s32 @!p0 $0x3  }
0x14a: {  	_ =	swait.ge @!p0 [sflag:s0], s1  }
0x14b: {  	s1 =	ssub.s32 @!p0 $0x0, s1;
	[sflag:s0] =	ssyncset.done @!p0 $0x0  }
0x14c: {  	[sflag:s0] =	ssyncadd.s32 @!p0 s1  }
0x14d: {  	[bflag:$0x3] =	sbarrier.arrive $0xFFFF  }
0x14e: {  	_ =	shalt  }

</sc_bundles>
